<compile_context>
chip_gen: v7x
topology: tpu7x:2x2x1
jax: 0.10.2.dev20260603
libtpu: 0.0.44.dev20260713+nightly
codegen_flags: <defaults>
</compile_context>

<pallas_src>
import functools

import jax
import jax.numpy as jnp
from jax import lax
from jax.experimental import pallas as pl
from jax.experimental.pallas import tpu as pltpu
from jax.experimental.pallas import tpu_sc as plsc

B, C, H, W, K = 32, 2, 128, 128, 100
HW = H * W
NCHUNK = 7
KG = NCHUNK * 16
AW = 512


def _sc_body(pred_hbm, pab_hbm, aux_hbm, out_hbm,
             aux_v, g0_v, g1_v, p0_v, p1_v, a0_v, a1_v, out_v,
             sem_a, sem_o, sem_g):
    cid = lax.axis_index("c")
    sid = lax.axis_index("s")
    b = sid * 2 + cid

    ci = pltpu.async_copy(aux_hbm.at[b, pl.ds(0, 128)],
                          aux_v.at[pl.ds(0, 128)], sem_a)
    cr = pltpu.async_copy(aux_hbm.at[b, pl.ds(128, AW - 128)],
                          aux_v.at[pl.ds(128, AW - 128)], sem_o)
    ci.wait()

    base = b * (C * HW)
    for i in range(NCHUNK):
        sl = pl.ds(i * 16, 16)
        idx = aux_v[sl]
        g0_v[sl] = idx + base
        g1_v[sl] = idx + (base + HW)

    cp0 = pltpu.async_copy(pred_hbm.at[g0_v], p0_v, sem_g)
    cp1 = pltpu.async_copy(pred_hbm.at[g1_v], p1_v, sem_g)
    cp2 = pltpu.async_copy(pab_hbm.at[g0_v], a0_v, sem_g)
    cp3 = pltpu.async_copy(pab_hbm.at[g1_v], a1_v, sem_g)
    cr.wait()
    cp0.wait()
    cp1.wait()
    cp2.wait()
    cp3.wait()

    acc = jnp.zeros((16,), jnp.float32)
    macc = jnp.zeros((16,), jnp.float32)
    for i in range(NCHUNK):
        sl = pl.ds(i * 16, 16)
        m = lax.bitcast_convert_type(aux_v[pl.ds(128 + i * 16, 16)],
                                     jnp.float32)
        t0 = lax.bitcast_convert_type(aux_v[pl.ds(256 + i * 16, 16)],
                                      jnp.float32)
        t1 = lax.bitcast_convert_type(aux_v[pl.ds(384 + i * 16, 16)],
                                      jnp.float32)
        d0 = (p0_v[sl] - t0) * m
        d1 = (p1_v[sl] - t1) * m
        ad0 = jnp.abs(d0)
        ad1 = jnp.abs(d1)
        l0 = jnp.where(ad0 < 1.0, 0.5 * d0 * d0, ad0 - 0.5)
        l1 = jnp.where(ad1 < 1.0, 0.5 * d1 * d1, ad1 - 0.5)
        ab0 = jnp.maximum(a0_v[sl], 0.0) * m
        ab1 = jnp.maximum(a1_v[sl], 0.0) * m
        r = ab0 / (ab1 + 1e-8)
        wgt = jnp.where(r < 1.2, 1.0, 2.0)
        acc = acc + (l0 + l1) * wgt
        macc = macc + m

    out_v[0, :] = acc
    out_v[1, :] = macc
    pltpu.sync_copy(out_v, out_hbm.at[b])


@functools.lru_cache(maxsize=1)
def _build_sc_loss():
    return pl.kernel(
        _sc_body,
        out_type=jax.ShapeDtypeStruct((B, 2, 16), jnp.float32),
        mesh=plsc.VectorSubcoreMesh(core_axis_name="c", subcore_axis_name="s"),
        scratch_types=[
            pltpu.VMEM((AW,), jnp.int32),
            pltpu.VMEM((KG,), jnp.int32),
            pltpu.VMEM((KG,), jnp.int32),
            pltpu.VMEM((KG,), jnp.float32),
            pltpu.VMEM((KG,), jnp.float32),
            pltpu.VMEM((KG,), jnp.float32),
            pltpu.VMEM((KG,), jnp.float32),
            pltpu.VMEM((2, 16), jnp.float32),
            pltpu.SemaphoreType.DMA,
            pltpu.SemaphoreType.DMA,
            pltpu.SemaphoreType.DMA,
        ],
    )


def kernel(pred, mask, ind, target, pred_ab):
    pred1d = pred.reshape(B * C * HW)
    pab1d = pred_ab.reshape(B * C * HW)
    bc = lambda x: lax.bitcast_convert_type(x, jnp.int32)
    row = jnp.concatenate(
        [
            jnp.pad(ind.astype(jnp.int32), ((0, 0), (0, 128 - K))),
            jnp.pad(bc(mask), ((0, 0), (0, 128 - K))),
            jnp.pad(bc(target[:, :, 0]), ((0, 0), (0, 128 - K))),
            jnp.pad(bc(target[:, :, 1]), ((0, 0), (0, 128 - K))),
        ],
        axis=1,
    )
    out = _build_sc_loss()(pred1d, pab1d, row)
    loss = jnp.sum(out[:, 0, :])
    msum = jnp.sum(out[:, 1, :])
    return loss / (msum + 1e-8)

# --- scband reference (transcript-rebuilt; emitter-appended) ---
"""Pipeline reference for scband-reg-l1-loss-ang-29626684407919 (READ-ONLY COPY).

The authoritative reference and input builder live on the scoring server;
editing this copy changes nothing except your own understanding.
"""

import jax, jax.numpy as jnp
import numpy as np

B, C, H, W, K = 32, 2, 128, 128, 100


def _transpose_and_gather_feat(feat, ind):
    # feat: [B, C, H, W] -> [B, H*W, C], then gather along dim 1 with ind [B, K]
    b, c, h, w = feat.shape
    f = jnp.transpose(feat, (0, 2, 3, 1)).reshape(b, h * w, c)
    idx = jnp.broadcast_to(ind[:, :, None], (b, ind.shape[1], c))
    return jnp.take_along_axis(f, idx, axis=1)


def _smooth_l1(x, y):
    # F.smooth_l1_loss with default beta=1.0, reduction='none'
    d = x - y
    ad = jnp.abs(d)
    return jnp.where(ad < 1.0, 0.5 * d * d, ad - 0.5)


def setup_inputs(seed: int = 0) -> dict:
    key = jax.random.key(seed)
    k1, k2, k3, k4 = jax.random.split(key, 4)
    pred = jax.random.normal(k1, (B, C, H, W), dtype=jnp.float32)
    pred_ab = jax.random.uniform(k2, (B, 2, H, W), dtype=jnp.float32)
    mask = jnp.ones((B, K), dtype=jnp.float32)
    ind = jax.random.randint(k3, (B, K), 0, H * W)
    target = jax.random.normal(k4, (B, K, C), dtype=jnp.float32)
    return {"pred": pred, "mask": mask, "ind": ind, "target": target, "pred_ab": pred_ab}


def reference(pred, mask, ind, target, pred_ab):
    pred_ang = _transpose_and_gather_feat(pred, ind)
    mask_ang = jnp.broadcast_to(mask[:, :, None], pred_ang.shape).astype(jnp.float32)
    loss = _smooth_l1(pred_ang * mask_ang, target * mask_ang)
    pab = _transpose_and_gather_feat(pred_ab, ind)
    mask_ab = jnp.broadcast_to(mask[:, :, None], pab.shape).astype(jnp.float32)
    pab = jnp.maximum(pab, 0.0)  # F.relu
    ab = pab * mask_ab
    ab_ratio = (ab[:, :, 0] / (ab[:, :, 1] + 1e-08)).reshape(-1, 100, 1)
    ab_ratio = jnp.clip(ab_ratio, 1.0, 10.0)
    ab_ratio = jnp.where(ab_ratio < 1.2, 1.0, 2.0)
    loss = jnp.sum(loss * ab_ratio)
    return loss / (jnp.sum(mask) + 1e-08)

if __name__ == "__main__":
    import jax
    _d = setup_inputs()
    print(jax.jit(kernel)(*tuple(_d.values())))

</pallas_src>

<mosaic_0001>
#map = affine_map<(d0, d1) -> (0)>
#map1 = affine_map<(d0, d1) -> (0, 0)>
#map2 = affine_map<(d0, d1) -> (0, 0, 0)>
module attributes {stable_mosaic.version = 14 : i64} {
  func.func @_sc_body(%arg0: i32, %arg1: i32, %arg2: memref<1048576xf32, #tpu.memory_space<hbm>>, %arg3: memref<1048576xf32, #tpu.memory_space<hbm>>, %arg4: memref<32x512xi32, #tpu.memory_space<hbm>>, %arg5: memref<32x2x16xf32, #tpu.memory_space<hbm>>, %arg6: memref<512xi32, #tpu.memory_space<vmem>>, %arg7: memref<112xi32, #tpu.memory_space<vmem>>, %arg8: memref<112xi32, #tpu.memory_space<vmem>>, %arg9: memref<112xf32, #tpu.memory_space<vmem>>, %arg10: memref<112xf32, #tpu.memory_space<vmem>>, %arg11: memref<112xf32, #tpu.memory_space<vmem>>, %arg12: memref<112xf32, #tpu.memory_space<vmem>>, %arg13: memref<2x16xf32, #tpu.memory_space<vmem>>, %arg14: memref<!tpu.dma_semaphore, #tpu.memory_space<semaphore_mem>>, %arg15: memref<!tpu.dma_semaphore, #tpu.memory_space<semaphore_mem>>, %arg16: memref<!tpu.dma_semaphore, #tpu.memory_space<semaphore_mem>>) attributes {dimension_semantics = [#tpu.dimension_semantics<core_parallel>, #tpu.dimension_semantics<subcore_parallel>], iteration_bounds = array<i64: 2, 16>, scalar_prefetch = 0 : i64, scratch_operands = 11 : i64, tpu.core_type = #tpu.core_type<sc_vector_subcore>, window_params = [{transform_indices = #map}, {transform_indices = #map}, {transform_indices = #map1}, {transform_indices = #map2}]} {
    %mul3A = arith.constant 2 : i32
    %mul3A_0 = arith.muli %arg1, %mul3A : i32
    %add3A = arith.addi %mul3A_0, %arg0 : i32
    %dma_start3A = arith.constant 0 : i32
    %dma_start3A_1 = tpu.memref_slice %arg6[%dma_start3A] : memref<512xi32, #tpu.memory_space<vmem>> -> memref<128xi32, #tpu.memory_space<vmem>>
    %dma_start3A_2 = arith.constant 0 : i32
    %dma_start3A_3 = tpu.memref_slice %arg4[%add3A, %dma_start3A_2] : memref<32x512xi32, #tpu.memory_space<hbm>> -> memref<1x128xi32, #tpu.memory_space<hbm>>
    %dma_start3A_4 = tpu.memref_squeeze %dma_start3A_3 : memref<1x128xi32, #tpu.memory_space<hbm>> -> memref<128xi32, #tpu.memory_space<hbm>>
    %dma_start3A_5 = arith.constant 0 : i32
    %dma_start3A_6 = tpu.memref_slice %arg6[%dma_start3A_5] : memref<512xi32, #tpu.memory_space<vmem>> -> memref<128xi32, #tpu.memory_space<vmem>>
    %dma_start3A_7 = arith.constant 0 : i32
    %dma_start3A_8 = tpu.memref_slice %arg4[%add3A, %dma_start3A_7] : memref<32x512xi32, #tpu.memory_space<hbm>> -> memref<1x128xi32, #tpu.memory_space<hbm>>
    %dma_start3A_9 = tpu.memref_squeeze %dma_start3A_8 : memref<1x128xi32, #tpu.memory_space<hbm>> -> memref<128xi32, #tpu.memory_space<hbm>>
    tpu.enqueue_dma source(%dma_start3A_9 : memref<128xi32, #tpu.memory_space<hbm>>) target(%dma_start3A_6 : memref<128xi32, #tpu.memory_space<vmem>>) target_semaphore(%arg14 : memref<!tpu.dma_semaphore, #tpu.memory_space<semaphore_mem>>)
    %dma_start3A_10 = arith.constant 128 : i32
    %dma_start3A_11 = tpu.memref_slice %arg6[%dma_start3A_10] : memref<512xi32, #tpu.memory_space<vmem>> -> memref<384xi32, #tpu.memory_space<vmem>>
    %dma_start3A_12 = arith.constant 128 : i32
    %dma_start3A_13 = tpu.memref_slice %arg4[%add3A, %dma_start3A_12] : memref<32x512xi32, #tpu.memory_space<hbm>> -> memref<1x384xi32, #tpu.memory_space<hbm>>
    %dma_start3A_14 = tpu.memref_squeeze %dma_start3A_13 : memref<1x384xi32, #tpu.memory_space<hbm>> -> memref<384xi32, #tpu.memory_space<hbm>>
    %dma_start3A_15 = arith.constant 128 : i32
    %dma_start3A_16 = tpu.memref_slice %arg6[%dma_start3A_15] : memref<512xi32, #tpu.memory_space<vmem>> -> memref<384xi32, #tpu.memory_space<vmem>>
    %dma_start3A_17 = arith.constant 128 : i32
    %dma_start3A_18 = tpu.memref_slice %arg4[%add3A, %dma_start3A_17] : memref<32x512xi32, #tpu.memory_space<hbm>> -> memref<1x384xi32, #tpu.memory_space<hbm>>
    %dma_start3A_19 = tpu.memref_squeeze %dma_start3A_18 : memref<1x384xi32, #tpu.memory_space<hbm>> -> memref<384xi32, #tpu.memory_space<hbm>>
    tpu.enqueue_dma source(%dma_start3A_19 : memref<384xi32, #tpu.memory_space<hbm>>) target(%dma_start3A_16 : memref<384xi32, #tpu.memory_space<vmem>>) target_semaphore(%arg15 : memref<!tpu.dma_semaphore, #tpu.memory_space<semaphore_mem>>)
    %dma_wait3A = arith.constant 0 : i32
    %dma_wait3A_20 = tpu.memref_slice %arg6[%dma_wait3A] : memref<512xi32, #tpu.memory_space<vmem>> -> memref<128xi32, #tpu.memory_space<vmem>>
    %dma_wait3A_21 = arith.constant 0 : i32
    %dma_wait3A_22 = tpu.memref_slice %arg4[%add3A, %dma_wait3A_21] : memref<32x512xi32, #tpu.memory_space<hbm>> -> memref<1x128xi32, #tpu.memory_space<hbm>>
    %dma_wait3A_23 = tpu.memref_squeeze %dma_wait3A_22 : memref<1x128xi32, #tpu.memory_space<hbm>> -> memref<128xi32, #tpu.memory_space<hbm>>
    %dma_wait3A_24 = arith.constant 0 : i32
    %dma_wait3A_25 = tpu.memref_slice %arg6[%dma_wait3A_24] : memref<512xi32, #tpu.memory_space<vmem>> -> memref<128xi32, #tpu.memory_space<vmem>>
    %dma_wait3A_26 = arith.constant 0 : i32
    %dma_wait3A_27 = tpu.memref_slice %arg4[%add3A, %dma_wait3A_26] : memref<32x512xi32, #tpu.memory_space<hbm>> -> memref<1x128xi32, #tpu.memory_space<hbm>>
    %dma_wait3A_28 = tpu.memref_squeeze %dma_wait3A_27 : memref<1x128xi32, #tpu.memory_space<hbm>> -> memref<128xi32, #tpu.memory_space<hbm>>
    tpu.wait_dma2 semaphore(%arg14 : memref<!tpu.dma_semaphore, #tpu.memory_space<semaphore_mem>>) src(%dma_wait3A_28 : memref<128xi32, #tpu.memory_space<hbm>>) dst(%dma_wait3A_25 : memref<128xi32, #tpu.memory_space<vmem>>)
    %mul3A_29 = arith.constant 32768 : i32
    %mul3A_30 = arith.muli %add3A, %mul3A_29 : i32
    %get3A = arith.constant 0 : index
    %get3A_31 = tpu.vector_load %arg6[%get3A] {strides = array<i32>} : memref<512xi32, #tpu.memory_space<vmem>>, vector<16xi32>,
    %get3A_32 = vector.shape_cast %get3A_31 : vector<16xi32> to vector<16xi32>
    %add3A_33 = vector.broadcast %mul3A_30 : i32 to vector<16xi32>
    %add3A_34 = arith.addi %get3A_32, %add3A_33 : vector<16xi32>
    %swap3A = arith.constant 0 : index
    %swap3A_35 = tpu.vector_load %arg7[%swap3A] {strides = array<i32>} : memref<112xi32, #tpu.memory_space<vmem>>, vector<16xi32>,
    %swap3A_36 = vector.shape_cast %swap3A_35 : vector<16xi32> to vector<16xi32>
    %swap3A_37 = vector.shape_cast %add3A_34 : vector<16xi32> to vector<16xi32>
    tpu.vector_store %arg7[%swap3A], %swap3A_37 {strides = array<i32>} : memref<112xi32, #tpu.memory_space<vmem>>, vector<16xi32>,
    %add3A_38 = arith.constant 16384 : i32
    %add3A_39 = arith.addi %mul3A_30, %add3A_38 : i32
    %add3A_40 = vector.broadcast %add3A_39 : i32 to vector<16xi32>
    %add3A_41 = arith.addi %get3A_32, %add3A_40 : vector<16xi32>
    %swap3A_42 = arith.constant 0 : index
    %swap3A_43 = tpu.vector_load %arg8[%swap3A_42] {strides = array<i32>} : memref<112xi32, #tpu.memory_space<vmem>>, vector<16xi32>,
    %swap3A_44 = vector.shape_cast %swap3A_43 : vector<16xi32> to vector<16xi32>
    %swap3A_45 = vector.shape_cast %add3A_41 : vector<16xi32> to vector<16xi32>
    tpu.vector_store %arg8[%swap3A_42], %swap3A_45 {strides = array<i32>} : memref<112xi32, #tpu.memory_space<vmem>>, vector<16xi32>,
    %get3A_46 = arith.constant 16 : index
    %get3A_47 = tpu.vector_load %arg6[%get3A_46] {strides = array<i32>} : memref<512xi32, #tpu.memory_space<vmem>>, vector<16xi32>,
    %get3A_48 = vector.shape_cast %get3A_47 : vector<16xi32> to vector<16xi32>
    %add3A_49 = vector.broadcast %mul3A_30 : i32 to vector<16xi32>
    %add3A_50 = arith.addi %get3A_48, %add3A_49 : vector<16xi32>
    %swap3A_51 = arith.constant 16 : index
    %swap3A_52 = tpu.vector_load %arg7[%swap3A_51] {strides = array<i32>} : memref<112xi32, #tpu.memory_space<vmem>>, vector<16xi32>,
    %swap3A_53 = vector.shape_cast %swap3A_52 : vector<16xi32> to vector<16xi32>
    %swap3A_54 = vector.shape_cast %add3A_50 : vector<16xi32> to vector<16xi32>
    tpu.vector_store %arg7[%swap3A_51], %swap3A_54 {strides = array<i32>} : memref<112xi32, #tpu.memory_space<vmem>>, vector<16xi32>,
    %add3A_55 = arith.constant 16384 : i32
    %add3A_56 = arith.addi %mul3A_30, %add3A_55 : i32
    %add3A_57 = vector.broadcast %add3A_56 : i32 to vector<16xi32>
    %add3A_58 = arith.addi %get3A_48, %add3A_57 : vector<16xi32>
    %swap3A_59 = arith.constant 16 : index
    %swap3A_60 = tpu.vector_load %arg8[%swap3A_59] {strides = array<i32>} : memref<112xi32, #tpu.memory_space<vmem>>, vector<16xi32>,
    %swap3A_61 = vector.shape_cast %swap3A_60 : vector<16xi32> to vector<16xi32>
    %swap3A_62 = vector.shape_cast %add3A_58 : vector<16xi32> to vector<16xi32>
    tpu.vector_store %arg8[%swap3A_59], %swap3A_62 {strides = array<i32>} : memref<112xi32, #tpu.memory_space<vmem>>, vector<16xi32>,
    %get3A_63 = arith.constant 32 : index
    %get3A_64 = tpu.vector_load %arg6[%get3A_63] {strides = array<i32>} : memref<512xi32, #tpu.memory_space<vmem>>, vector<16xi32>,
    %get3A_65 = vector.shape_cast %get3A_64 : vector<16xi32> to vector<16xi32>
    %add3A_66 = vector.broadcast %mul3A_30 : i32 to vector<16xi32>
    %add3A_67 = arith.addi %get3A_65, %add3A_66 : vector<16xi32>
    %swap3A_68 = arith.constant 32 : index
    %swap3A_69 = tpu.vector_load %arg7[%swap3A_68] {strides = array<i32>} : memref<112xi32, #tpu.memory_space<vmem>>, vector<16xi32>,
    %swap3A_70 = vector.shape_cast %swap3A_69 : vector<16xi32> to vector<16xi32>
    %swap3A_71 = vector.shape_cast %add3A_67 : vector<16xi32> to vector<16xi32>
    tpu.vector_store %arg7[%swap3A_68], %swap3A_71 {strides = array<i32>} : memref<112xi32, #tpu.memory_space<vmem>>, vector<16xi32>,
    %add3A_72 = arith.constant 16384 : i32
    %add3A_73 = arith.addi %mul3A_30, %add3A_72 : i32
    %add3A_74 = vector.broadcast %add3A_73 : i32 to vector<16xi32>
    %add3A_75 = arith.addi %get3A_65, %add3A_74 : vector<16xi32>
    %swap3A_76 = arith.constant 32 : index
    %swap3A_77 = tpu.vector_load %arg8[%swap3A_76] {strides = array<i32>} : memref<112xi32, #tpu.memory_space<vmem>>, vector<16xi32>,
    %swap3A_78 = vector.shape_cast %swap3A_77 : vector<16xi32> to vector<16xi32>
    %swap3A_79 = vector.shape_cast %add3A_75 : vector<16xi32> to vector<16xi32>
    tpu.vector_store %arg8[%swap3A_76], %swap3A_79 {strides = array<i32>} : memref<112xi32, #tpu.memory_space<vmem>>, vector<16xi32>,
    %get3A_80 = arith.constant 48 : index
    %get3A_81 = tpu.vector_load %arg6[%get3A_80] {strides = array<i32>} : memref<512xi32, #tpu.memory_space<vmem>>, vector<16xi32>,
    %get3A_82 = vector.shape_cast %get3A_81 : vector<16xi32> to vector<16xi32>
    %add3A_83 = vector.broadcast %mul3A_30 : i32 to vector<16xi32>
    %add3A_84 = arith.addi %get3A_82, %add3A_83 : vector<16xi32>
    %swap3A_85 = arith.constant 48 : index
    %swap3A_86 = tpu.vector_load %arg7[%swap3A_85] {strides = array<i32>} : memref<112xi32, #tpu.memory_space<vmem>>, vector<16xi32>,
    %swap3A_87 = vector.shape_cast %swap3A_86 : vector<16xi32> to vector<16xi32>
    %swap3A_88 = vector.shape_cast %add3A_84 : vector<16xi32> to vector<16xi32>
    tpu.vector_store %arg7[%swap3A_85], %swap3A_88 {strides = array<i32>} : memref<112xi32, #tpu.memory_space<vmem>>, vector<16xi32>,
    %add3A_89 = arith.constant 16384 : i32
    %add3A_90 = arith.addi %mul3A_30, %add3A_89 : i32
    %add3A_91 = vector.broadcast %add3A_90 : i32 to vector<16xi32>
    %add3A_92 = arith.addi %get3A_82, %add3A_91 : vector<16xi32>
    %swap3A_93 = arith.constant 48 : index
    %swap3A_94 = tpu.vector_load %arg8[%swap3A_93] {strides = array<i32>} : memref<112xi32, #tpu.memory_space<vmem>>, vector<16xi32>,
    %swap3A_95 = vector.shape_cast %swap3A_94 : vector<16xi32> to vector<16xi32>
    %swap3A_96 = vector.shape_cast %add3A_92 : vector<16xi32> to vector<16xi32>
    tpu.vector_store %arg8[%swap3A_93], %swap3A_96 {strides = array<i32>} : memref<112xi32, #tpu.memory_space<vmem>>, vector<16xi32>,
    %get3A_97 = arith.constant 64 : index
    %get3A_98 = tpu.vector_load %arg6[%get3A_97] {strides = array<i32>} : memref<512xi32, #tpu.memory_space<vmem>>, vector<16xi32>,
    %get3A_99 = vector.shape_cast %get3A_98 : vector<16xi32> to vector<16xi32>
    %add3A_100 = vector.broadcast %mul3A_30 : i32 to vector<16xi32>
    %add3A_101 = arith.addi %get3A_99, %add3A_100 : vector<16xi32>
    %swap3A_102 = arith.constant 64 : index
    %swap3A_103 = tpu.vector_load %arg7[%swap3A_102] {strides = array<i32>} : memref<112xi32, #tpu.memory_space<vmem>>, vector<16xi32>,
    %swap3A_104 = vector.shape_cast %swap3A_103 : vector<16xi32> to vector<16xi32>
    %swap3A_105 = vector.shape_cast %add3A_101 : vector<16xi32> to vector<16xi32>
    tpu.vector_store %arg7[%swap3A_102], %swap3A_105 {strides = array<i32>} : memref<112xi32, #tpu.memory_space<vmem>>, vector<16xi32>,
    %add3A_106 = arith.constant 16384 : i32
    %add3A_107 = arith.addi %mul3A_30, %add3A_106 : i32
    %add3A_108 = vector.broadcast %add3A_107 : i32 to vector<16xi32>
    %add3A_109 = arith.addi %get3A_99, %add3A_108 : vector<16xi32>
    %swap3A_110 = arith.constant 64 : index
    %swap3A_111 = tpu.vector_load %arg8[%swap3A_110] {strides = array<i32>} : memref<112xi32, #tpu.memory_space<vmem>>, vector<16xi32>,
    %swap3A_112 = vector.shape_cast %swap3A_111 : vector<16xi32> to vector<16xi32>
    %swap3A_113 = vector.shape_cast %add3A_109 : vector<16xi32> to vector<16xi32>
    tpu.vector_store %arg8[%swap3A_110], %swap3A_113 {strides = array<i32>} : memref<112xi32, #tpu.memory_space<vmem>>, vector<16xi32>,
    %get3A_114 = arith.constant 80 : index
    %get3A_115 = tpu.vector_load %arg6[%get3A_114] {strides = array<i32>} : memref<512xi32, #tpu.memory_space<vmem>>, vector<16xi32>,
    %get3A_116 = vector.shape_cast %get3A_115 : vector<16xi32> to vector<16xi32>
    %add3A_117 = vector.broadcast %mul3A_30 : i32 to vector<16xi32>
    %add3A_118 = arith.addi %get3A_116, %add3A_117 : vector<16xi32>
    %swap3A_119 = arith.constant 80 : index
    %swap3A_120 = tpu.vector_load %arg7[%swap3A_119] {strides = array<i32>} : memref<112xi32, #tpu.memory_space<vmem>>, vector<16xi32>,
    %swap3A_121 = vector.shape_cast %swap3A_120 : vector<16xi32> to vector<16xi32>
    %swap3A_122 = vector.shape_cast %add3A_118 : vector<16xi32> to vector<16xi32>
    tpu.vector_store %arg7[%swap3A_119], %swap3A_122 {strides = array<i32>} : memref<112xi32, #tpu.memory_space<vmem>>, vector<16xi32>,
    %add3A_123 = arith.constant 16384 : i32
    %add3A_124 = arith.addi %mul3A_30, %add3A_123 : i32
    %add3A_125 = vector.broadcast %add3A_124 : i32 to vector<16xi32>
    %add3A_126 = arith.addi %get3A_116, %add3A_125 : vector<16xi32>
    %swap3A_127 = arith.constant 80 : index
    %swap3A_128 = tpu.vector_load %arg8[%swap3A_127] {strides = array<i32>} : memref<112xi32, #tpu.memory_space<vmem>>, vector<16xi32>,
    %swap3A_129 = vector.shape_cast %swap3A_128 : vector<16xi32> to vector<16xi32>
    %swap3A_130 = vector.shape_cast %add3A_126 : vector<16xi32> to vector<16xi32>
    tpu.vector_store %arg8[%swap3A_127], %swap3A_130 {strides = array<i32>} : memref<112xi32, #tpu.memory_space<vmem>>, vector<16xi32>,
    %get3A_131 = arith.constant 96 : index
    %get3A_132 = tpu.vector_load %arg6[%get3A_131] {strides = array<i32>} : memref<512xi32, #tpu.memory_space<vmem>>, vector<16xi32>,
    %get3A_133 = vector.shape_cast %get3A_132 : vector<16xi32> to vector<16xi32>
    %add3A_134 = vector.broadcast %mul3A_30 : i32 to vector<16xi32>
    %add3A_135 = arith.addi %get3A_133, %add3A_134 : vector<16xi32>
    %swap3A_136 = arith.constant 96 : index
    %swap3A_137 = tpu.vector_load %arg7[%swap3A_136] {strides = array<i32>} : memref<112xi32, #tpu.memory_space<vmem>>, vector<16xi32>,
    %swap3A_138 = vector.shape_cast %swap3A_137 : vector<16xi32> to vector<16xi32>
    %swap3A_139 = vector.shape_cast %add3A_135 : vector<16xi32> to vector<16xi32>
    tpu.vector_store %arg7[%swap3A_136], %swap3A_139 {strides = array<i32>} : memref<112xi32, #tpu.memory_space<vmem>>, vector<16xi32>,
    %add3A_140 = arith.constant 16384 : i32
    %add3A_141 = arith.addi %mul3A_30, %add3A_140 : i32
    %add3A_142 = vector.broadcast %add3A_141 : i32 to vector<16xi32>
    %add3A_143 = arith.addi %get3A_133, %add3A_142 : vector<16xi32>
    %swap3A_144 = arith.constant 96 : index
    %swap3A_145 = tpu.vector_load %arg8[%swap3A_144] {strides = array<i32>} : memref<112xi32, #tpu.memory_space<vmem>>, vector<16xi32>,
    %swap3A_146 = vector.shape_cast %swap3A_145 : vector<16xi32> to vector<16xi32>
    %swap3A_147 = vector.shape_cast %add3A_143 : vector<16xi32> to vector<16xi32>
    tpu.vector_store %arg8[%swap3A_144], %swap3A_147 {strides = array<i32>} : memref<112xi32, #tpu.memory_space<vmem>>, vector<16xi32>,
    %dma_start3A_148 = arith.constant 0 : i32
    %dma_start3A_149 = tpu.memref_slice %arg2[%dma_start3A_148] : memref<1048576xf32, #tpu.memory_space<hbm>> -> memref<1048576xf32, #tpu.memory_space<hbm>>
    tpu.enqueue_indirect_dma source(%dma_start3A_149 : memref<1048576xf32, #tpu.memory_space<hbm>>) target(%arg9 : memref<112xf32, #tpu.memory_space<vmem>>) offsets(%arg7 : memref<112xi32, #tpu.memory_space<vmem>>) semaphore(%arg16 : memref<!tpu.dma_semaphore, #tpu.memory_space<semaphore_mem>>)
    %dma_start3A_150 = arith.constant 0 : i32
    %dma_start3A_151 = tpu.memref_slice %arg2[%dma_start3A_150] : memref<1048576xf32, #tpu.memory_space<hbm>> -> memref<1048576xf32, #tpu.memory_space<hbm>>
    tpu.enqueue_indirect_dma source(%dma_start3A_151 : memref<1048576xf32, #tpu.memory_space<hbm>>) target(%arg10 : memref<112xf32, #tpu.memory_space<vmem>>) offsets(%arg8 : memref<112xi32, #tpu.memory_space<vmem>>) semaphore(%arg16 : memref<!tpu.dma_semaphore, #tpu.memory_space<semaphore_mem>>)
    %dma_start3A_152 = arith.constant 0 : i32
    %dma_start3A_153 = tpu.memref_slice %arg3[%dma_start3A_152] : memref<1048576xf32, #tpu.memory_space<hbm>> -> memref<1048576xf32, #tpu.memory_space<hbm>>
    tpu.enqueue_indirect_dma source(%dma_start3A_153 : memref<1048576xf32, #tpu.memory_space<hbm>>) target(%arg11 : memref<112xf32, #tpu.memory_space<vmem>>) offsets(%arg7 : memref<112xi32, #tpu.memory_space<vmem>>) semaphore(%arg16 : memref<!tpu.dma_semaphore, #tpu.memory_space<semaphore_mem>>)
    %dma_start3A_154 = arith.constant 0 : i32
    %dma_start3A_155 = tpu.memref_slice %arg3[%dma_start3A_154] : memref<1048576xf32, #tpu.memory_space<hbm>> -> memref<1048576xf32, #tpu.memory_space<hbm>>
    tpu.enqueue_indirect_dma source(%dma_start3A_155 : memref<1048576xf32, #tpu.memory_space<hbm>>) target(%arg12 : memref<112xf32, #tpu.memory_space<vmem>>) offsets(%arg8 : memref<112xi32, #tpu.memory_space<vmem>>) semaphore(%arg16 : memref<!tpu.dma_semaphore, #tpu.memory_space<semaphore_mem>>)
    %dma_wait3A_156 = arith.constant 128 : i32
    %dma_wait3A_157 = tpu.memref_slice %arg6[%dma_wait3A_156] : memref<512xi32, #tpu.memory_space<vmem>> -> memref<384xi32, #tpu.memory_space<vmem>>
    %dma_wait3A_158 = arith.constant 128 : i32
    %dma_wait3A_159 = tpu.memref_slice %arg4[%add3A, %dma_wait3A_158] : memref<32x512xi32, #tpu.memory_space<hbm>> -> memref<1x384xi32, #tpu.memory_space<hbm>>
    %dma_wait3A_160 = tpu.memref_squeeze %dma_wait3A_159 : memref<1x384xi32, #tpu.memory_space<hbm>> -> memref<384xi32, #tpu.memory_space<hbm>>
    %dma_wait3A_161 = arith.constant 128 : i32
    %dma_wait3A_162 = tpu.memref_slice %arg6[%dma_wait3A_161] : memref<512xi32, #tpu.memory_space<vmem>> -> memref<384xi32, #tpu.memory_space<vmem>>
    %dma_wait3A_163 = arith.constant 128 : i32
    %dma_wait3A_164 = tpu.memref_slice %arg4[%add3A, %dma_wait3A_163] : memref<32x512xi32, #tpu.memory_space<hbm>> -> memref<1x384xi32, #tpu.memory_space<hbm>>
    %dma_wait3A_165 = tpu.memref_squeeze %dma_wait3A_164 : memref<1x384xi32, #tpu.memory_space<hbm>> -> memref<384xi32, #tpu.memory_space<hbm>>
    tpu.wait_dma2 semaphore(%arg15 : memref<!tpu.dma_semaphore, #tpu.memory_space<semaphore_mem>>) src(%dma_wait3A_165 : memref<384xi32, #tpu.memory_space<hbm>>) dst(%dma_wait3A_162 : memref<384xi32, #tpu.memory_space<vmem>>)
    %dma_wait3A_166 = arith.constant 0 : i32
    %dma_wait3A_167 = tpu.memref_slice %arg2[%dma_wait3A_166] : memref<1048576xf32, #tpu.memory_space<hbm>> -> memref<1048576xf32, #tpu.memory_space<hbm>>
    tpu.wait_indirect_dma semaphore(%arg16 : memref<!tpu.dma_semaphore, #tpu.memory_space<semaphore_mem>>) src(%dma_wait3A_167 : memref<1048576xf32, #tpu.memory_space<hbm>>) dst(%arg9 : memref<112xf32, #tpu.memory_space<vmem>>)
    %dma_wait3A_168 = arith.constant 0 : i32
    %dma_wait3A_169 = tpu.memref_slice %arg2[%dma_wait3A_168] : memref<1048576xf32, #tpu.memory_space<hbm>> -> memref<1048576xf32, #tpu.memory_space<hbm>>
    tpu.wait_indirect_dma semaphore(%arg16 : memref<!tpu.dma_semaphore, #tpu.memory_space<semaphore_mem>>) src(%dma_wait3A_169 : memref<1048576xf32, #tpu.memory_space<hbm>>) dst(%arg10 : memref<112xf32, #tpu.memory_space<vmem>>)
    %dma_wait3A_170 = arith.constant 0 : i32
    %dma_wait3A_171 = tpu.memref_slice %arg3[%dma_wait3A_170] : memref<1048576xf32, #tpu.memory_space<hbm>> -> memref<1048576xf32, #tpu.memory_space<hbm>>
    tpu.wait_indirect_dma semaphore(%arg16 : memref<!tpu.dma_semaphore, #tpu.memory_space<semaphore_mem>>) src(%dma_wait3A_171 : memref<1048576xf32, #tpu.memory_space<hbm>>) dst(%arg11 : memref<112xf32, #tpu.memory_space<vmem>>)
    %dma_wait3A_172 = arith.constant 0 : i32
    %dma_wait3A_173 = tpu.memref_slice %arg3[%dma_wait3A_172] : memref<1048576xf32, #tpu.memory_space<hbm>> -> memref<1048576xf32, #tpu.memory_space<hbm>>
    tpu.wait_indirect_dma semaphore(%arg16 : memref<!tpu.dma_semaphore, #tpu.memory_space<semaphore_mem>>) src(%dma_wait3A_173 : memref<1048576xf32, #tpu.memory_space<hbm>>) dst(%arg12 : memref<112xf32, #tpu.memory_space<vmem>>)
    %broadcast_in_dim3A = arith.constant 0.000000e+00 : f32
    %broadcast_in_dim3A_174 = vector.broadcast %broadcast_in_dim3A : f32 to vector<16xf32>
    %broadcast_in_dim3A_175 = arith.constant 0.000000e+00 : f32
    %broadcast_in_dim3A_176 = vector.broadcast %broadcast_in_dim3A_175 : f32 to vector<16xf32>
    %get3A_177 = arith.constant 128 : index
    %get3A_178 = tpu.vector_load %arg6[%get3A_177] {strides = array<i32>} : memref<512xi32, #tpu.memory_space<vmem>>, vector<16xi32>,
    %get3A_179 = vector.shape_cast %get3A_178 : vector<16xi32> to vector<16xi32>
    %bitcast_convert_type3A = tpu.bitcast %get3A_179 : vector<16xi32> -> vector<16xf32>
    %get3A_180 = arith.constant 256 : index
    %get3A_181 = tpu.vector_load %arg6[%get3A_180] {strides = array<i32>} : memref<512xi32, #tpu.memory_space<vmem>>, vector<16xi32>,
    %get3A_182 = vector.shape_cast %get3A_181 : vector<16xi32> to vector<16xi32>
    %bitcast_convert_type3A_183 = tpu.bitcast %get3A_182 : vector<16xi32> -> vector<16xf32>
    %get3A_184 = arith.constant 384 : index
    %get3A_185 = tpu.vector_load %arg6[%get3A_184] {strides = array<i32>} : memref<512xi32, #tpu.memory_space<vmem>>, vector<16xi32>,
    %get3A_186 = vector.shape_cast %get3A_185 : vector<16xi32> to vector<16xi32>
    %bitcast_convert_type3A_187 = tpu.bitcast %get3A_186 : vector<16xi32> -> vector<16xf32>
    %get3A_188 = arith.constant 0 : index
    %get3A_189 = tpu.vector_load %arg9[%get3A_188] {strides = array<i32>} : memref<112xf32, #tpu.memory_space<vmem>>, vector<16xf32>,
    %get3A_190 = vector.shape_cast %get3A_189 : vector<16xf32> to vector<16xf32>
    %sub3A = arith.subf %get3A_190, %bitcast_convert_type3A_183 : vector<16xf32>
    %mul3A_191 = arith.mulf %sub3A, %bitcast_convert_type3A : vector<16xf32>
    %get3A_192 = arith.constant 0 : index
    %get3A_193 = tpu.vector_load %arg10[%get3A_192] {strides = array<i32>} : memref<112xf32, #tpu.memory_space<vmem>>, vector<16xf32>,
    %get3A_194 = vector.shape_cast %get3A_193 : vector<16xf32> to vector<16xf32>
    %sub3A_195 = arith.subf %get3A_194, %bitcast_convert_type3A_187 : vector<16xf32>
    %mul3A_196 = arith.mulf %sub3A_195, %bitcast_convert_type3A : vector<16xf32>
    %abs3A = math.absf %mul3A_191 : vector<16xf32>
    %abs3A_197 = math.absf %mul3A_196 : vector<16xf32>
    %lt3A = arith.constant 1.000000e+00 : f32
    %lt3A_198 = vector.broadcast %lt3A : f32 to vector<16xf32>
    %lt3A_199 = arith.cmpf olt, %abs3A, %lt3A_198 : vector<16xf32>
    %mul3A_200 = arith.constant 5.000000e-01 : f32
    %mul3A_201 = vector.broadcast %mul3A_200 : f32 to vector<16xf32>
    %mul3A_202 = arith.mulf %mul3A_201, %mul3A_191 : vector<16xf32>
    %mul3A_203 = arith.mulf %mul3A_202, %mul3A_191 : vector<16xf32>
    %sub3A_204 = arith.constant 5.000000e-01 : f32
    %sub3A_205 = vector.broadcast %sub3A_204 : f32 to vector<16xf32>
    %sub3A_206 = arith.subf %abs3A, %sub3A_205 : vector<16xf32>
    %select_n3A = arith.select %lt3A_199, %mul3A_203, %sub3A_206 : vector<16xi1>, vector<16xf32>
    %lt3A_207 = arith.constant 1.000000e+00 : f32
    %lt3A_208 = vector.broadcast %lt3A_207 : f32 to vector<16xf32>
    %lt3A_209 = arith.cmpf olt, %abs3A_197, %lt3A_208 : vector<16xf32>
    %mul3A_210 = arith.constant 5.000000e-01 : f32
    %mul3A_211 = vector.broadcast %mul3A_210 : f32 to vector<16xf32>
    %mul3A_212 = arith.mulf %mul3A_211, %mul3A_196 : vector<16xf32>
    %mul3A_213 = arith.mulf %mul3A_212, %mul3A_196 : vector<16xf32>
    %sub3A_214 = arith.constant 5.000000e-01 : f32
    %sub3A_215 = vector.broadcast %sub3A_214 : f32 to vector<16xf32>
    %sub3A_216 = arith.subf %abs3A_197, %sub3A_215 : vector<16xf32>
    %select_n3A_217 = arith.select %lt3A_209, %mul3A_213, %sub3A_216 : vector<16xi1>, vector<16xf32>
    %get3A_218 = arith.constant 0 : index
    %get3A_219 = tpu.vector_load %arg11[%get3A_218] {strides = array<i32>} : memref<112xf32, #tpu.memory_space<vmem>>, vector<16xf32>,
    %get3A_220 = vector.shape_cast %get3A_219 : vector<16xf32> to vector<16xf32>
    %max3A = arith.constant 0.000000e+00 : f32
    %max3A_221 = vector.broadcast %max3A : f32 to vector<16xf32>
    %max3A_222 = arith.maximumf %get3A_220, %max3A_221 : vector<16xf32>
    %mul3A_223 = arith.mulf %max3A_222, %bitcast_convert_type3A : vector<16xf32>
    %get3A_224 = arith.constant 0 : index
    %get3A_225 = tpu.vector_load %arg12[%get3A_224] {strides = array<i32>} : memref<112xf32, #tpu.memory_space<vmem>>, vector<16xf32>,
    %get3A_226 = vector.shape_cast %get3A_225 : vector<16xf32> to vector<16xf32>
    %max3A_227 = arith.constant 0.000000e+00 : f32
    %max3A_228 = vector.broadcast %max3A_227 : f32 to vector<16xf32>
    %max3A_229 = arith.maximumf %get3A_226, %max3A_228 : vector<16xf32>
    %mul3A_230 = arith.mulf %max3A_229, %bitcast_convert_type3A : vector<16xf32>
    %add3A_231 = arith.constant 9.99999993E-9 : f32
    %add3A_232 = vector.broadcast %add3A_231 : f32 to vector<16xf32>
    %add3A_233 = arith.addf %mul3A_230, %add3A_232 : vector<16xf32>
    %div3A = arith.divf %mul3A_223, %add3A_233 : vector<16xf32>
    %lt3A_234 = arith.constant 1.200000e+00 : f32
    %lt3A_235 = vector.broadcast %lt3A_234 : f32 to vector<16xf32>
    %lt3A_236 = arith.cmpf olt, %div3A, %lt3A_235 : vector<16xf32>
    %jit3A = arith.constant 1.000000e+00 : f32
    %jit3A_237 = arith.constant 2.000000e+00 : f32
    %broadcast_in_dim3A_238 = vector.broadcast %jit3A : f32 to vector<16xf32>
    %broadcast_in_dim3A_239 = vector.broadcast %jit3A_237 : f32 to vector<16xf32>
    %select_n3A_240 = arith.select %lt3A_236, %broadcast_in_dim3A_238, %broadcast_in_dim3A_239 : vector<16xi1>, vector<16xf32>
    %add3A_241 = arith.addf %select_n3A, %select_n3A_217 : vector<16xf32>
    %mul3A_242 = arith.mulf %add3A_241, %select_n3A_240 : vector<16xf32>
    %add3A_243 = arith.addf %broadcast_in_dim3A_174, %mul3A_242 : vector<16xf32>
    %add3A_244 = arith.addf %broadcast_in_dim3A_176, %bitcast_convert_type3A : vector<16xf32>
    %get3A_245 = arith.constant 144 : index
    %get3A_246 = tpu.vector_load %arg6[%get3A_245] {strides = array<i32>} : memref<512xi32, #tpu.memory_space<vmem>>, vector<16xi32>,
    %get3A_247 = vector.shape_cast %get3A_246 : vector<16xi32> to vector<16xi32>
    %bitcast_convert_type3A_248 = tpu.bitcast %get3A_247 : vector<16xi32> -> vector<16xf32>
    %get3A_249 = arith.constant 272 : index
    %get3A_250 = tpu.vector_load %arg6[%get3A_249] {strides = array<i32>} : memref<512xi32, #tpu.memory_space<vmem>>, vector<16xi32>,
    %get3A_251 = vector.shape_cast %get3A_250 : vector<16xi32> to vector<16xi32>
    %bitcast_convert_type3A_252 = tpu.bitcast %get3A_251 : vector<16xi32> -> vector<16xf32>
    %get3A_253 = arith.constant 400 : index
    %get3A_254 = tpu.vector_load %arg6[%get3A_253] {strides = array<i32>} : memref<512xi32, #tpu.memory_space<vmem>>, vector<16xi32>,
    %get3A_255 = vector.shape_cast %get3A_254 : vector<16xi32> to vector<16xi32>
    %bitcast_convert_type3A_256 = tpu.bitcast %get3A_255 : vector<16xi32> -> vector<16xf32>
    %get3A_257 = arith.constant 16 : index
    %get3A_258 = tpu.vector_load %arg9[%get3A_257] {strides = array<i32>} : memref<112xf32, #tpu.memory_space<vmem>>, vector<16xf32>,
    %get3A_259 = vector.shape_cast %get3A_258 : vector<16xf32> to vector<16xf32>
    %sub3A_260 = arith.subf %get3A_259, %bitcast_convert_type3A_252 : vector<16xf32>
    %mul3A_261 = arith.mulf %sub3A_260, %bitcast_convert_type3A_248 : vector<16xf32>
    %get3A_262 = arith.constant 16 : index
    %get3A_263 = tpu.vector_load %arg10[%get3A_262] {strides = array<i32>} : memref<112xf32, #tpu.memory_space<vmem>>, vector<16xf32>,
    %get3A_264 = vector.shape_cast %get3A_263 : vector<16xf32> to vector<16xf32>
    %sub3A_265 = arith.subf %get3A_264, %bitcast_convert_type3A_256 : vector<16xf32>
    %mul3A_266 = arith.mulf %sub3A_265, %bitcast_convert_type3A_248 : vector<16xf32>
    %abs3A_267 = math.absf %mul3A_261 : vector<16xf32>
    %abs3A_268 = math.absf %mul3A_266 : vector<16xf32>
    %lt3A_269 = arith.constant 1.000000e+00 : f32
    %lt3A_270 = vector.broadcast %lt3A_269 : f32 to vector<16xf32>
    %lt3A_271 = arith.cmpf olt, %abs3A_267, %lt3A_270 : vector<16xf32>
    %mul3A_272 = arith.constant 5.000000e-01 : f32
    %mul3A_273 = vector.broadcast %mul3A_272 : f32 to vector<16xf32>
    %mul3A_274 = arith.mulf %mul3A_273, %mul3A_261 : vector<16xf32>
    %mul3A_275 = arith.mulf %mul3A_274, %mul3A_261 : vector<16xf32>
    %sub3A_276 = arith.constant 5.000000e-01 : f32
    %sub3A_277 = vector.broadcast %sub3A_276 : f32 to vector<16xf32>
    %sub3A_278 = arith.subf %abs3A_267, %sub3A_277 : vector<16xf32>
    %select_n3A_279 = arith.select %lt3A_271, %mul3A_275, %sub3A_278 : vector<16xi1>, vector<16xf32>
    %lt3A_280 = arith.constant 1.000000e+00 : f32
    %lt3A_281 = vector.broadcast %lt3A_280 : f32 to vector<16xf32>
    %lt3A_282 = arith.cmpf olt, %abs3A_268, %lt3A_281 : vector<16xf32>
    %mul3A_283 = arith.constant 5.000000e-01 : f32
    %mul3A_284 = vector.broadcast %mul3A_283 : f32 to vector<16xf32>
    %mul3A_285 = arith.mulf %mul3A_284, %mul3A_266 : vector<16xf32>
    %mul3A_286 = arith.mulf %mul3A_285, %mul3A_266 : vector<16xf32>
    %sub3A_287 = arith.constant 5.000000e-01 : f32
    %sub3A_288 = vector.broadcast %sub3A_287 : f32 to vector<16xf32>
    %sub3A_289 = arith.subf %abs3A_268, %sub3A_288 : vector<16xf32>
    %select_n3A_290 = arith.select %lt3A_282, %mul3A_286, %sub3A_289 : vector<16xi1>, vector<16xf32>
    %get3A_291 = arith.constant 16 : index
    %get3A_292 = tpu.vector_load %arg11[%get3A_291] {strides = array<i32>} : memref<112xf32, #tpu.memory_space<vmem>>, vector<16xf32>,
    %get3A_293 = vector.shape_cast %get3A_292 : vector<16xf32> to vector<16xf32>
    %max3A_294 = arith.constant 0.000000e+00 : f32
    %max3A_295 = vector.broadcast %max3A_294 : f32 to vector<16xf32>
    %max3A_296 = arith.maximumf %get3A_293, %max3A_295 : vector<16xf32>
    %mul3A_297 = arith.mulf %max3A_296, %bitcast_convert_type3A_248 : vector<16xf32>
    %get3A_298 = arith.constant 16 : index
    %get3A_299 = tpu.vector_load %arg12[%get3A_298] {strides = array<i32>} : memref<112xf32, #tpu.memory_space<vmem>>, vector<16xf32>,
    %get3A_300 = vector.shape_cast %get3A_299 : vector<16xf32> to vector<16xf32>
    %max3A_301 = arith.constant 0.000000e+00 : f32
    %max3A_302 = vector.broadcast %max3A_301 : f32 to vector<16xf32>
    %max3A_303 = arith.maximumf %get3A_300, %max3A_302 : vector<16xf32>
    %mul3A_304 = arith.mulf %max3A_303, %bitcast_convert_type3A_248 : vector<16xf32>
    %add3A_305 = arith.constant 9.99999993E-9 : f32
    %add3A_306 = vector.broadcast %add3A_305 : f32 to vector<16xf32>
    %add3A_307 = arith.addf %mul3A_304, %add3A_306 : vector<16xf32>
    %div3A_308 = arith.divf %mul3A_297, %add3A_307 : vector<16xf32>
    %lt3A_309 = arith.constant 1.200000e+00 : f32
    %lt3A_310 = vector.broadcast %lt3A_309 : f32 to vector<16xf32>
    %lt3A_311 = arith.cmpf olt, %div3A_308, %lt3A_310 : vector<16xf32>
    %jit3A_312 = arith.constant 1.000000e+00 : f32
    %jit3A_313 = arith.constant 2.000000e+00 : f32
    %broadcast_in_dim3A_314 = vector.broadcast %jit3A_312 : f32 to vector<16xf32>
    %broadcast_in_dim3A_315 = vector.broadcast %jit3A_313 : f32 to vector<16xf32>
    %select_n3A_316 = arith.select %lt3A_311, %broadcast_in_dim3A_314, %broadcast_in_dim3A_315 : vector<16xi1>, vector<16xf32>
    %add3A_317 = arith.addf %select_n3A_279, %select_n3A_290 : vector<16xf32>
    %mul3A_318 = arith.mulf %add3A_317, %select_n3A_316 : vector<16xf32>
    %add3A_319 = arith.addf %add3A_243, %mul3A_318 : vector<16xf32>
    %add3A_320 = arith.addf %add3A_244, %bitcast_convert_type3A_248 : vector<16xf32>
    %get3A_321 = arith.constant 160 : index
    %get3A_322 = tpu.vector_load %arg6[%get3A_321] {strides = array<i32>} : memref<512xi32, #tpu.memory_space<vmem>>, vector<16xi32>,
    %get3A_323 = vector.shape_cast %get3A_322 : vector<16xi32> to vector<16xi32>
    %bitcast_convert_type3A_324 = tpu.bitcast %get3A_323 : vector<16xi32> -> vector<16xf32>
    %get3A_325 = arith.constant 288 : index
    %get3A_326 = tpu.vector_load %arg6[%get3A_325] {strides = array<i32>} : memref<512xi32, #tpu.memory_space<vmem>>, vector<16xi32>,
    %get3A_327 = vector.shape_cast %get3A_326 : vector<16xi32> to vector<16xi32>
    %bitcast_convert_type3A_328 = tpu.bitcast %get3A_327 : vector<16xi32> -> vector<16xf32>
    %get3A_329 = arith.constant 416 : index
    %get3A_330 = tpu.vector_load %arg6[%get3A_329] {strides = array<i32>} : memref<512xi32, #tpu.memory_space<vmem>>, vector<16xi32>,
    %get3A_331 = vector.shape_cast %get3A_330 : vector<16xi32> to vector<16xi32>
    %bitcast_convert_type3A_332 = tpu.bitcast %get3A_331 : vector<16xi32> -> vector<16xf32>
    %get3A_333 = arith.constant 32 : index
    %get3A_334 = tpu.vector_load %arg9[%get3A_333] {strides = array<i32>} : memref<112xf32, #tpu.memory_space<vmem>>, vector<16xf32>,
    %get3A_335 = vector.shape_cast %get3A_334 : vector<16xf32> to vector<16xf32>
    %sub3A_336 = arith.subf %get3A_335, %bitcast_convert_type3A_328 : vector<16xf32>
    %mul3A_337 = arith.mulf %sub3A_336, %bitcast_convert_type3A_324 : vector<16xf32>
    %get3A_338 = arith.constant 32 : index
    %get3A_339 = tpu.vector_load %arg10[%get3A_338] {strides = array<i32>} : memref<112xf32, #tpu.memory_space<vmem>>, vector<16xf32>,
    %get3A_340 = vector.shape_cast %get3A_339 : vector<16xf32> to vector<16xf32>
    %sub3A_341 = arith.subf %get3A_340, %bitcast_convert_type3A_332 : vector<16xf32>
    %mul3A_342 = arith.mulf %sub3A_341, %bitcast_convert_type3A_324 : vector<16xf32>
    %abs3A_343 = math.absf %mul3A_337 : vector<16xf32>
    %abs3A_344 = math.absf %mul3A_342 : vector<16xf32>
    %lt3A_345 = arith.constant 1.000000e+00 : f32
    %lt3A_346 = vector.broadcast %lt3A_345 : f32 to vector<16xf32>
    %lt3A_347 = arith.cmpf olt, %abs3A_343, %lt3A_346 : vector<16xf32>
    %mul3A_348 = arith.constant 5.000000e-01 : f32
    %mul3A_349 = vector.broadcast %mul3A_348 : f32 to vector<16xf32>
    %mul3A_350 = arith.mulf %mul3A_349, %mul3A_337 : vector<16xf32>
    %mul3A_351 = arith.mulf %mul3A_350, %mul3A_337 : vector<16xf32>
    %sub3A_352 = arith.constant 5.000000e-01 : f32
    %sub3A_353 = vector.broadcast %sub3A_352 : f32 to vector<16xf32>
    %sub3A_354 = arith.subf %abs3A_343, %sub3A_353 : vector<16xf32>
    %select_n3A_355 = arith.select %lt3A_347, %mul3A_351, %sub3A_354 : vector<16xi1>, vector<16xf32>
    %lt3A_356 = arith.constant 1.000000e+00 : f32
    %lt3A_357 = vector.broadcast %lt3A_356 : f32 to vector<16xf32>
    %lt3A_358 = arith.cmpf olt, %abs3A_344, %lt3A_357 : vector<16xf32>
    %mul3A_359 = arith.constant 5.000000e-01 : f32
    %mul3A_360 = vector.broadcast %mul3A_359 : f32 to vector<16xf32>
    %mul3A_361 = arith.mulf %mul3A_360, %mul3A_342 : vector<16xf32>
    %mul3A_362 = arith.mulf %mul3A_361, %mul3A_342 : vector<16xf32>
    %sub3A_363 = arith.constant 5.000000e-01 : f32
    %sub3A_364 = vector.broadcast %sub3A_363 : f32 to vector<16xf32>
    %sub3A_365 = arith.subf %abs3A_344, %sub3A_364 : vector<16xf32>
    %select_n3A_366 = arith.select %lt3A_358, %mul3A_362, %sub3A_365 : vector<16xi1>, vector<16xf32>
    %get3A_367 = arith.constant 32 : index
    %get3A_368 = tpu.vector_load %arg11[%get3A_367] {strides = array<i32>} : memref<112xf32, #tpu.memory_space<vmem>>, vector<16xf32>,
    %get3A_369 = vector.shape_cast %get3A_368 : vector<16xf32> to vector<16xf32>
    %max3A_370 = arith.constant 0.000000e+00 : f32
    %max3A_371 = vector.broadcast %max3A_370 : f32 to vector<16xf32>
    %max3A_372 = arith.maximumf %get3A_369, %max3A_371 : vector<16xf32>
    %mul3A_373 = arith.mulf %max3A_372, %bitcast_convert_type3A_324 : vector<16xf32>
    %get3A_374 = arith.constant 32 : index
    %get3A_375 = tpu.vector_load %arg12[%get3A_374] {strides = array<i32>} : memref<112xf32, #tpu.memory_space<vmem>>, vector<16xf32>,
    %get3A_376 = vector.shape_cast %get3A_375 : vector<16xf32> to vector<16xf32>
    %max3A_377 = arith.constant 0.000000e+00 : f32
    %max3A_378 = vector.broadcast %max3A_377 : f32 to vector<16xf32>
    %max3A_379 = arith.maximumf %get3A_376, %max3A_378 : vector<16xf32>
    %mul3A_380 = arith.mulf %max3A_379, %bitcast_convert_type3A_324 : vector<16xf32>
    %add3A_381 = arith.constant 9.99999993E-9 : f32
    %add3A_382 = vector.broadcast %add3A_381 : f32 to vector<16xf32>
    %add3A_383 = arith.addf %mul3A_380, %add3A_382 : vector<16xf32>
    %div3A_384 = arith.divf %mul3A_373, %add3A_383 : vector<16xf32>
    %lt3A_385 = arith.constant 1.200000e+00 : f32
    %lt3A_386 = vector.broadcast %lt3A_385 : f32 to vector<16xf32>
    %lt3A_387 = arith.cmpf olt, %div3A_384, %lt3A_386 : vector<16xf32>
    %jit3A_388 = arith.constant 1.000000e+00 : f32
    %jit3A_389 = arith.constant 2.000000e+00 : f32
    %broadcast_in_dim3A_390 = vector.broadcast %jit3A_388 : f32 to vector<16xf32>
    %broadcast_in_dim3A_391 = vector.broadcast %jit3A_389 : f32 to vector<16xf32>
    %select_n3A_392 = arith.select %lt3A_387, %broadcast_in_dim3A_390, %broadcast_in_dim3A_391 : vector<16xi1>, vector<16xf32>
    %add3A_393 = arith.addf %select_n3A_355, %select_n3A_366 : vector<16xf32>
    %mul3A_394 = arith.mulf %add3A_393, %select_n3A_392 : vector<16xf32>
    %add3A_395 = arith.addf %add3A_319, %mul3A_394 : vector<16xf32>
    %add3A_396 = arith.addf %add3A_320, %bitcast_convert_type3A_324 : vector<16xf32>
    %get3A_397 = arith.constant 176 : index
    %get3A_398 = tpu.vector_load %arg6[%get3A_397] {strides = array<i32>} : memref<512xi32, #tpu.memory_space<vmem>>, vector<16xi32>,
    %get3A_399 = vector.shape_cast %get3A_398 : vector<16xi32> to vector<16xi32>
    %bitcast_convert_type3A_400 = tpu.bitcast %get3A_399 : vector<16xi32> -> vector<16xf32>
    %get3A_401 = arith.constant 304 : index
    %get3A_402 = tpu.vector_load %arg6[%get3A_401] {strides = array<i32>} : memref<512xi32, #tpu.memory_space<vmem>>, vector<16xi32>,
    %get3A_403 = vector.shape_cast %get3A_402 : vector<16xi32> to vector<16xi32>
    %bitcast_convert_type3A_404 = tpu.bitcast %get3A_403 : vector<16xi32> -> vector<16xf32>
    %get3A_405 = arith.constant 432 : index
    %get3A_406 = tpu.vector_load %arg6[%get3A_405] {strides = array<i32>} : memref<512xi32, #tpu.memory_space<vmem>>, vector<16xi32>,
    %get3A_407 = vector.shape_cast %get3A_406 : vector<16xi32> to vector<16xi32>
    %bitcast_convert_type3A_408 = tpu.bitcast %get3A_407 : vector<16xi32> -> vector<16xf32>
    %get3A_409 = arith.constant 48 : index
    %get3A_410 = tpu.vector_load %arg9[%get3A_409] {strides = array<i32>} : memref<112xf32, #tpu.memory_space<vmem>>, vector<16xf32>,
    %get3A_411 = vector.shape_cast %get3A_410 : vector<16xf32> to vector<16xf32>
    %sub3A_412 = arith.subf %get3A_411, %bitcast_convert_type3A_404 : vector<16xf32>
    %mul3A_413 = arith.mulf %sub3A_412, %bitcast_convert_type3A_400 : vector<16xf32>
    %get3A_414 = arith.constant 48 : index
    %get3A_415 = tpu.vector_load %arg10[%get3A_414] {strides = array<i32>} : memref<112xf32, #tpu.memory_space<vmem>>, vector<16xf32>,
    %get3A_416 = vector.shape_cast %get3A_415 : vector<16xf32> to vector<16xf32>
    %sub3A_417 = arith.subf %get3A_416, %bitcast_convert_type3A_408 : vector<16xf32>
    %mul3A_418 = arith.mulf %sub3A_417, %bitcast_convert_type3A_400 : vector<16xf32>
    %abs3A_419 = math.absf %mul3A_413 : vector<16xf32>
    %abs3A_420 = math.absf %mul3A_418 : vector<16xf32>
    %lt3A_421 = arith.constant 1.000000e+00 : f32
    %lt3A_422 = vector.broadcast %lt3A_421 : f32 to vector<16xf32>
    %lt3A_423 = arith.cmpf olt, %abs3A_419, %lt3A_422 : vector<16xf32>
    %mul3A_424 = arith.constant 5.000000e-01 : f32
    %mul3A_425 = vector.broadcast %mul3A_424 : f32 to vector<16xf32>
    %mul3A_426 = arith.mulf %mul3A_425, %mul3A_413 : vector<16xf32>
    %mul3A_427 = arith.mulf %mul3A_426, %mul3A_413 : vector<16xf32>
    %sub3A_428 = arith.constant 5.000000e-01 : f32
    %sub3A_429 = vector.broadcast %sub3A_428 : f32 to vector<16xf32>
    %sub3A_430 = arith.subf %abs3A_419, %sub3A_429 : vector<16xf32>
    %select_n3A_431 = arith.select %lt3A_423, %mul3A_427, %sub3A_430 : vector<16xi1>, vector<16xf32>
    %lt3A_432 = arith.constant 1.000000e+00 : f32
    %lt3A_433 = vector.broadcast %lt3A_432 : f32 to vector<16xf32>
    %lt3A_434 = arith.cmpf olt, %abs3A_420, %lt3A_433 : vector<16xf32>
    %mul3A_435 = arith.constant 5.000000e-01 : f32
    %mul3A_436 = vector.broadcast %mul3A_435 : f32 to vector<16xf32>
    %mul3A_437 = arith.mulf %mul3A_436, %mul3A_418 : vector<16xf32>
    %mul3A_438 = arith.mulf %mul3A_437, %mul3A_418 : vector<16xf32>
    %sub3A_439 = arith.constant 5.000000e-01 : f32
    %sub3A_440 = vector.broadcast %sub3A_439 : f32 to vector<16xf32>
    %sub3A_441 = arith.subf %abs3A_420, %sub3A_440 : vector<16xf32>
    %select_n3A_442 = arith.select %lt3A_434, %mul3A_438, %sub3A_441 : vector<16xi1>, vector<16xf32>
    %get3A_443 = arith.constant 48 : index
    %get3A_444 = tpu.vector_load %arg11[%get3A_443] {strides = array<i32>} : memref<112xf32, #tpu.memory_space<vmem>>, vector<16xf32>,
    %get3A_445 = vector.shape_cast %get3A_444 : vector<16xf32> to vector<16xf32>
    %max3A_446 = arith.constant 0.000000e+00 : f32
    %max3A_447 = vector.broadcast %max3A_446 : f32 to vector<16xf32>
    %max3A_448 = arith.maximumf %get3A_445, %max3A_447 : vector<16xf32>
    %mul3A_449 = arith.mulf %max3A_448, %bitcast_convert_type3A_400 : vector<16xf32>
    %get3A_450 = arith.constant 48 : index
    %get3A_451 = tpu.vector_load %arg12[%get3A_450] {strides = array<i32>} : memref<112xf32, #tpu.memory_space<vmem>>, vector<16xf32>,
    %get3A_452 = vector.shape_cast %get3A_451 : vector<16xf32> to vector<16xf32>
    %max3A_453 = arith.constant 0.000000e+00 : f32
    %max3A_454 = vector.broadcast %max3A_453 : f32 to vector<16xf32>
    %max3A_455 = arith.maximumf %get3A_452, %max3A_454 : vector<16xf32>
    %mul3A_456 = arith.mulf %max3A_455, %bitcast_convert_type3A_400 : vector<16xf32>
    %add3A_457 = arith.constant 9.99999993E-9 : f32
    %add3A_458 = vector.broadcast %add3A_457 : f32 to vector<16xf32>
    %add3A_459 = arith.addf %mul3A_456, %add3A_458 : vector<16xf32>
    %div3A_460 = arith.divf %mul3A_449, %add3A_459 : vector<16xf32>
    %lt3A_461 = arith.constant 1.200000e+00 : f32
    %lt3A_462 = vector.broadcast %lt3A_461 : f32 to vector<16xf32>
    %lt3A_463 = arith.cmpf olt, %div3A_460, %lt3A_462 : vector<16xf32>
    %jit3A_464 = arith.constant 1.000000e+00 : f32
    %jit3A_465 = arith.constant 2.000000e+00 : f32
    %broadcast_in_dim3A_466 = vector.broadcast %jit3A_464 : f32 to vector<16xf32>
    %broadcast_in_dim3A_467 = vector.broadcast %jit3A_465 : f32 to vector<16xf32>
    %select_n3A_468 = arith.select %lt3A_463, %broadcast_in_dim3A_466, %broadcast_in_dim3A_467 : vector<16xi1>, vector<16xf32>
    %add3A_469 = arith.addf %select_n3A_431, %select_n3A_442 : vector<16xf32>
    %mul3A_470 = arith.mulf %add3A_469, %select_n3A_468 : vector<16xf32>
    %add3A_471 = arith.addf %add3A_395, %mul3A_470 : vector<16xf32>
    %add3A_472 = arith.addf %add3A_396, %bitcast_convert_type3A_400 : vector<16xf32>
    %get3A_473 = arith.constant 192 : index
    %get3A_474 = tpu.vector_load %arg6[%get3A_473] {strides = array<i32>} : memref<512xi32, #tpu.memory_space<vmem>>, vector<16xi32>,
    %get3A_475 = vector.shape_cast %get3A_474 : vector<16xi32> to vector<16xi32>
    %bitcast_convert_type3A_476 = tpu.bitcast %get3A_475 : vector<16xi32> -> vector<16xf32>
    %get3A_477 = arith.constant 320 : index
    %get3A_478 = tpu.vector_load %arg6[%get3A_477] {strides = array<i32>} : memref<512xi32, #tpu.memory_space<vmem>>, vector<16xi32>,
    %get3A_479 = vector.shape_cast %get3A_478 : vector<16xi32> to vector<16xi32>
    %bitcast_convert_type3A_480 = tpu.bitcast %get3A_479 : vector<16xi32> -> vector<16xf32>
    %get3A_481 = arith.constant 448 : index
    %get3A_482 = tpu.vector_load %arg6[%get3A_481] {strides = array<i32>} : memref<512xi32, #tpu.memory_space<vmem>>, vector<16xi32>,
    %get3A_483 = vector.shape_cast %get3A_482 : vector<16xi32> to vector<16xi32>
    %bitcast_convert_type3A_484 = tpu.bitcast %get3A_483 : vector<16xi32> -> vector<16xf32>
    %get3A_485 = arith.constant 64 : index
    %get3A_486 = tpu.vector_load %arg9[%get3A_485] {strides = array<i32>} : memref<112xf32, #tpu.memory_space<vmem>>, vector<16xf32>,
    %get3A_487 = vector.shape_cast %get3A_486 : vector<16xf32> to vector<16xf32>
    %sub3A_488 = arith.subf %get3A_487, %bitcast_convert_type3A_480 : vector<16xf32>
    %mul3A_489 = arith.mulf %sub3A_488, %bitcast_convert_type3A_476 : vector<16xf32>
    %get3A_490 = arith.constant 64 : index
    %get3A_491 = tpu.vector_load %arg10[%get3A_490] {strides = array<i32>} : memref<112xf32, #tpu.memory_space<vmem>>, vector<16xf32>,
    %get3A_492 = vector.shape_cast %get3A_491 : vector<16xf32> to vector<16xf32>
    %sub3A_493 = arith.subf %get3A_492, %bitcast_convert_type3A_484 : vector<16xf32>
    %mul3A_494 = arith.mulf %sub3A_493, %bitcast_convert_type3A_476 : vector<16xf32>
    %abs3A_495 = math.absf %mul3A_489 : vector<16xf32>
    %abs3A_496 = math.absf %mul3A_494 : vector<16xf32>
    %lt3A_497 = arith.constant 1.000000e+00 : f32
    %lt3A_498 = vector.broadcast %lt3A_497 : f32 to vector<16xf32>
    %lt3A_499 = arith.cmpf olt, %abs3A_495, %lt3A_498 : vector<16xf32>
    %mul3A_500 = arith.constant 5.000000e-01 : f32
    %mul3A_501 = vector.broadcast %mul3A_500 : f32 to vector<16xf32>
    %mul3A_502 = arith.mulf %mul3A_501, %mul3A_489 : vector<16xf32>
    %mul3A_503 = arith.mulf %mul3A_502, %mul3A_489 : vector<16xf32>
    %sub3A_504 = arith.constant 5.000000e-01 : f32
    %sub3A_505 = vector.broadcast %sub3A_504 : f32 to vector<16xf32>
    %sub3A_506 = arith.subf %abs3A_495, %sub3A_505 : vector<16xf32>
    %select_n3A_507 = arith.select %lt3A_499, %mul3A_503, %sub3A_506 : vector<16xi1>, vector<16xf32>
    %lt3A_508 = arith.constant 1.000000e+00 : f32
    %lt3A_509 = vector.broadcast %lt3A_508 : f32 to vector<16xf32>
    %lt3A_510 = arith.cmpf olt, %abs3A_496, %lt3A_509 : vector<16xf32>
    %mul3A_511 = arith.constant 5.000000e-01 : f32
    %mul3A_512 = vector.broadcast %mul3A_511 : f32 to vector<16xf32>
    %mul3A_513 = arith.mulf %mul3A_512, %mul3A_494 : vector<16xf32>
    %mul3A_514 = arith.mulf %mul3A_513, %mul3A_494 : vector<16xf32>
    %sub3A_515 = arith.constant 5.000000e-01 : f32
    %sub3A_516 = vector.broadcast %sub3A_515 : f32 to vector<16xf32>
    %sub3A_517 = arith.subf %abs3A_496, %sub3A_516 : vector<16xf32>
    %select_n3A_518 = arith.select %lt3A_510, %mul3A_514, %sub3A_517 : vector<16xi1>, vector<16xf32>
    %get3A_519 = arith.constant 64 : index
    %get3A_520 = tpu.vector_load %arg11[%get3A_519] {strides = array<i32>} : memref<112xf32, #tpu.memory_space<vmem>>, vector<16xf32>,
    %get3A_521 = vector.shape_cast %get3A_520 : vector<16xf32> to vector<16xf32>
    %max3A_522 = arith.constant 0.000000e+00 : f32
    %max3A_523 = vector.broadcast %max3A_522 : f32 to vector<16xf32>
    %max3A_524 = arith.maximumf %get3A_521, %max3A_523 : vector<16xf32>
    %mul3A_525 = arith.mulf %max3A_524, %bitcast_convert_type3A_476 : vector<16xf32>
    %get3A_526 = arith.constant 64 : index
    %get3A_527 = tpu.vector_load %arg12[%get3A_526] {strides = array<i32>} : memref<112xf32, #tpu.memory_space<vmem>>, vector<16xf32>,
    %get3A_528 = vector.shape_cast %get3A_527 : vector<16xf32> to vector<16xf32>
    %max3A_529 = arith.constant 0.000000e+00 : f32
    %max3A_530 = vector.broadcast %max3A_529 : f32 to vector<16xf32>
    %max3A_531 = arith.maximumf %get3A_528, %max3A_530 : vector<16xf32>
    %mul3A_532 = arith.mulf %max3A_531, %bitcast_convert_type3A_476 : vector<16xf32>
    %add3A_533 = arith.constant 9.99999993E-9 : f32
    %add3A_534 = vector.broadcast %add3A_533 : f32 to vector<16xf32>
    %add3A_535 = arith.addf %mul3A_532, %add3A_534 : vector<16xf32>
    %div3A_536 = arith.divf %mul3A_525, %add3A_535 : vector<16xf32>
    %lt3A_537 = arith.constant 1.200000e+00 : f32
    %lt3A_538 = vector.broadcast %lt3A_537 : f32 to vector<16xf32>
    %lt3A_539 = arith.cmpf olt, %div3A_536, %lt3A_538 : vector<16xf32>
    %jit3A_540 = arith.constant 1.000000e+00 : f32
    %jit3A_541 = arith.constant 2.000000e+00 : f32
    %broadcast_in_dim3A_542 = vector.broadcast %jit3A_540 : f32 to vector<16xf32>
    %broadcast_in_dim3A_543 = vector.broadcast %jit3A_541 : f32 to vector<16xf32>
    %select_n3A_544 = arith.select %lt3A_539, %broadcast_in_dim3A_542, %broadcast_in_dim3A_543 : vector<16xi1>, vector<16xf32>
    %add3A_545 = arith.addf %select_n3A_507, %select_n3A_518 : vector<16xf32>
    %mul3A_546 = arith.mulf %add3A_545, %select_n3A_544 : vector<16xf32>
    %add3A_547 = arith.addf %add3A_471, %mul3A_546 : vector<16xf32>
    %add3A_548 = arith.addf %add3A_472, %bitcast_convert_type3A_476 : vector<16xf32>
    %get3A_549 = arith.constant 208 : index
    %get3A_550 = tpu.vector_load %arg6[%get3A_549] {strides = array<i32>} : memref<512xi32, #tpu.memory_space<vmem>>, vector<16xi32>,
    %get3A_551 = vector.shape_cast %get3A_550 : vector<16xi32> to vector<16xi32>
    %bitcast_convert_type3A_552 = tpu.bitcast %get3A_551 : vector<16xi32> -> vector<16xf32>
    %get3A_553 = arith.constant 336 : index
    %get3A_554 = tpu.vector_load %arg6[%get3A_553] {strides = array<i32>} : memref<512xi32, #tpu.memory_space<vmem>>, vector<16xi32>,
    %get3A_555 = vector.shape_cast %get3A_554 : vector<16xi32> to vector<16xi32>
    %bitcast_convert_type3A_556 = tpu.bitcast %get3A_555 : vector<16xi32> -> vector<16xf32>
    %get3A_557 = arith.constant 464 : index
    %get3A_558 = tpu.vector_load %arg6[%get3A_557] {strides = array<i32>} : memref<512xi32, #tpu.memory_space<vmem>>, vector<16xi32>,
    %get3A_559 = vector.shape_cast %get3A_558 : vector<16xi32> to vector<16xi32>
    %bitcast_convert_type3A_560 = tpu.bitcast %get3A_559 : vector<16xi32> -> vector<16xf32>
    %get3A_561 = arith.constant 80 : index
    %get3A_562 = tpu.vector_load %arg9[%get3A_561] {strides = array<i32>} : memref<112xf32, #tpu.memory_space<vmem>>, vector<16xf32>,
    %get3A_563 = vector.shape_cast %get3A_562 : vector<16xf32> to vector<16xf32>
    %sub3A_564 = arith.subf %get3A_563, %bitcast_convert_type3A_556 : vector<16xf32>
    %mul3A_565 = arith.mulf %sub3A_564, %bitcast_convert_type3A_552 : vector<16xf32>
    %get3A_566 = arith.constant 80 : index
    %get3A_567 = tpu.vector_load %arg10[%get3A_566] {strides = array<i32>} : memref<112xf32, #tpu.memory_space<vmem>>, vector<16xf32>,
    %get3A_568 = vector.shape_cast %get3A_567 : vector<16xf32> to vector<16xf32>
    %sub3A_569 = arith.subf %get3A_568, %bitcast_convert_type3A_560 : vector<16xf32>
    %mul3A_570 = arith.mulf %sub3A_569, %bitcast_convert_type3A_552 : vector<16xf32>
    %abs3A_571 = math.absf %mul3A_565 : vector<16xf32>
    %abs3A_572 = math.absf %mul3A_570 : vector<16xf32>
    %lt3A_573 = arith.constant 1.000000e+00 : f32
    %lt3A_574 = vector.broadcast %lt3A_573 : f32 to vector<16xf32>
    %lt3A_575 = arith.cmpf olt, %abs3A_571, %lt3A_574 : vector<16xf32>
    %mul3A_576 = arith.constant 5.000000e-01 : f32
    %mul3A_577 = vector.broadcast %mul3A_576 : f32 to vector<16xf32>
    %mul3A_578 = arith.mulf %mul3A_577, %mul3A_565 : vector<16xf32>
    %mul3A_579 = arith.mulf %mul3A_578, %mul3A_565 : vector<16xf32>
    %sub3A_580 = arith.constant 5.000000e-01 : f32
    %sub3A_581 = vector.broadcast %sub3A_580 : f32 to vector<16xf32>
    %sub3A_582 = arith.subf %abs3A_571, %sub3A_581 : vector<16xf32>
    %select_n3A_583 = arith.select %lt3A_575, %mul3A_579, %sub3A_582 : vector<16xi1>, vector<16xf32>
    %lt3A_584 = arith.constant 1.000000e+00 : f32
    %lt3A_585 = vector.broadcast %lt3A_584 : f32 to vector<16xf32>
    %lt3A_586 = arith.cmpf olt, %abs3A_572, %lt3A_585 : vector<16xf32>
    %mul3A_587 = arith.constant 5.000000e-01 : f32
    %mul3A_588 = vector.broadcast %mul3A_587 : f32 to vector<16xf32>
    %mul3A_589 = arith.mulf %mul3A_588, %mul3A_570 : vector<16xf32>
    %mul3A_590 = arith.mulf %mul3A_589, %mul3A_570 : vector<16xf32>
    %sub3A_591 = arith.constant 5.000000e-01 : f32
    %sub3A_592 = vector.broadcast %sub3A_591 : f32 to vector<16xf32>
    %sub3A_593 = arith.subf %abs3A_572, %sub3A_592 : vector<16xf32>
    %select_n3A_594 = arith.select %lt3A_586, %mul3A_590, %sub3A_593 : vector<16xi1>, vector<16xf32>
    %get3A_595 = arith.constant 80 : index
    %get3A_596 = tpu.vector_load %arg11[%get3A_595] {strides = array<i32>} : memref<112xf32, #tpu.memory_space<vmem>>, vector<16xf32>,
    %get3A_597 = vector.shape_cast %get3A_596 : vector<16xf32> to vector<16xf32>
    %max3A_598 = arith.constant 0.000000e+00 : f32
    %max3A_599 = vector.broadcast %max3A_598 : f32 to vector<16xf32>
    %max3A_600 = arith.maximumf %get3A_597, %max3A_599 : vector<16xf32>
    %mul3A_601 = arith.mulf %max3A_600, %bitcast_convert_type3A_552 : vector<16xf32>
    %get3A_602 = arith.constant 80 : index
    %get3A_603 = tpu.vector_load %arg12[%get3A_602] {strides = array<i32>} : memref<112xf32, #tpu.memory_space<vmem>>, vector<16xf32>,
    %get3A_604 = vector.shape_cast %get3A_603 : vector<16xf32> to vector<16xf32>
    %max3A_605 = arith.constant 0.000000e+00 : f32
    %max3A_606 = vector.broadcast %max3A_605 : f32 to vector<16xf32>
    %max3A_607 = arith.maximumf %get3A_604, %max3A_606 : vector<16xf32>
    %mul3A_608 = arith.mulf %max3A_607, %bitcast_convert_type3A_552 : vector<16xf32>
    %add3A_609 = arith.constant 9.99999993E-9 : f32
    %add3A_610 = vector.broadcast %add3A_609 : f32 to vector<16xf32>
    %add3A_611 = arith.addf %mul3A_608, %add3A_610 : vector<16xf32>
    %div3A_612 = arith.divf %mul3A_601, %add3A_611 : vector<16xf32>
    %lt3A_613 = arith.constant 1.200000e+00 : f32
    %lt3A_614 = vector.broadcast %lt3A_613 : f32 to vector<16xf32>
    %lt3A_615 = arith.cmpf olt, %div3A_612, %lt3A_614 : vector<16xf32>
    %jit3A_616 = arith.constant 1.000000e+00 : f32
    %jit3A_617 = arith.constant 2.000000e+00 : f32
    %broadcast_in_dim3A_618 = vector.broadcast %jit3A_616 : f32 to vector<16xf32>
    %broadcast_in_dim3A_619 = vector.broadcast %jit3A_617 : f32 to vector<16xf32>
    %select_n3A_620 = arith.select %lt3A_615, %broadcast_in_dim3A_618, %broadcast_in_dim3A_619 : vector<16xi1>, vector<16xf32>
    %add3A_621 = arith.addf %select_n3A_583, %select_n3A_594 : vector<16xf32>
    %mul3A_622 = arith.mulf %add3A_621, %select_n3A_620 : vector<16xf32>
    %add3A_623 = arith.addf %add3A_547, %mul3A_622 : vector<16xf32>
    %add3A_624 = arith.addf %add3A_548, %bitcast_convert_type3A_552 : vector<16xf32>
    %get3A_625 = arith.constant 224 : index
    %get3A_626 = tpu.vector_load %arg6[%get3A_625] {strides = array<i32>} : memref<512xi32, #tpu.memory_space<vmem>>, vector<16xi32>,
    %get3A_627 = vector.shape_cast %get3A_626 : vector<16xi32> to vector<16xi32>
    %bitcast_convert_type3A_628 = tpu.bitcast %get3A_627 : vector<16xi32> -> vector<16xf32>
    %get3A_629 = arith.constant 352 : index
    %get3A_630 = tpu.vector_load %arg6[%get3A_629] {strides = array<i32>} : memref<512xi32, #tpu.memory_space<vmem>>, vector<16xi32>,
    %get3A_631 = vector.shape_cast %get3A_630 : vector<16xi32> to vector<16xi32>
    %bitcast_convert_type3A_632 = tpu.bitcast %get3A_631 : vector<16xi32> -> vector<16xf32>
    %get3A_633 = arith.constant 480 : index
    %get3A_634 = tpu.vector_load %arg6[%get3A_633] {strides = array<i32>} : memref<512xi32, #tpu.memory_space<vmem>>, vector<16xi32>,
    %get3A_635 = vector.shape_cast %get3A_634 : vector<16xi32> to vector<16xi32>
    %bitcast_convert_type3A_636 = tpu.bitcast %get3A_635 : vector<16xi32> -> vector<16xf32>
    %get3A_637 = arith.constant 96 : index
    %get3A_638 = tpu.vector_load %arg9[%get3A_637] {strides = array<i32>} : memref<112xf32, #tpu.memory_space<vmem>>, vector<16xf32>,
    %get3A_639 = vector.shape_cast %get3A_638 : vector<16xf32> to vector<16xf32>
    %sub3A_640 = arith.subf %get3A_639, %bitcast_convert_type3A_632 : vector<16xf32>
    %mul3A_641 = arith.mulf %sub3A_640, %bitcast_convert_type3A_628 : vector<16xf32>
    %get3A_642 = arith.constant 96 : index
    %get3A_643 = tpu.vector_load %arg10[%get3A_642] {strides = array<i32>} : memref<112xf32, #tpu.memory_space<vmem>>, vector<16xf32>,
    %get3A_644 = vector.shape_cast %get3A_643 : vector<16xf32> to vector<16xf32>
    %sub3A_645 = arith.subf %get3A_644, %bitcast_convert_type3A_636 : vector<16xf32>
    %mul3A_646 = arith.mulf %sub3A_645, %bitcast_convert_type3A_628 : vector<16xf32>
    %abs3A_647 = math.absf %mul3A_641 : vector<16xf32>
    %abs3A_648 = math.absf %mul3A_646 : vector<16xf32>
    %lt3A_649 = arith.constant 1.000000e+00 : f32
    %lt3A_650 = vector.broadcast %lt3A_649 : f32 to vector<16xf32>
    %lt3A_651 = arith.cmpf olt, %abs3A_647, %lt3A_650 : vector<16xf32>
    %mul3A_652 = arith.constant 5.000000e-01 : f32
    %mul3A_653 = vector.broadcast %mul3A_652 : f32 to vector<16xf32>
    %mul3A_654 = arith.mulf %mul3A_653, %mul3A_641 : vector<16xf32>
    %mul3A_655 = arith.mulf %mul3A_654, %mul3A_641 : vector<16xf32>
    %sub3A_656 = arith.constant 5.000000e-01 : f32
    %sub3A_657 = vector.broadcast %sub3A_656 : f32 to vector<16xf32>
    %sub3A_658 = arith.subf %abs3A_647, %sub3A_657 : vector<16xf32>
    %select_n3A_659 = arith.select %lt3A_651, %mul3A_655, %sub3A_658 : vector<16xi1>, vector<16xf32>
    %lt3A_660 = arith.constant 1.000000e+00 : f32
    %lt3A_661 = vector.broadcast %lt3A_660 : f32 to vector<16xf32>
    %lt3A_662 = arith.cmpf olt, %abs3A_648, %lt3A_661 : vector<16xf32>
    %mul3A_663 = arith.constant 5.000000e-01 : f32
    %mul3A_664 = vector.broadcast %mul3A_663 : f32 to vector<16xf32>
    %mul3A_665 = arith.mulf %mul3A_664, %mul3A_646 : vector<16xf32>
    %mul3A_666 = arith.mulf %mul3A_665, %mul3A_646 : vector<16xf32>
    %sub3A_667 = arith.constant 5.000000e-01 : f32
    %sub3A_668 = vector.broadcast %sub3A_667 : f32 to vector<16xf32>
    %sub3A_669 = arith.subf %abs3A_648, %sub3A_668 : vector<16xf32>
    %select_n3A_670 = arith.select %lt3A_662, %mul3A_666, %sub3A_669 : vector<16xi1>, vector<16xf32>
    %get3A_671 = arith.constant 96 : index
    %get3A_672 = tpu.vector_load %arg11[%get3A_671] {strides = array<i32>} : memref<112xf32, #tpu.memory_space<vmem>>, vector<16xf32>,
    %get3A_673 = vector.shape_cast %get3A_672 : vector<16xf32> to vector<16xf32>
    %max3A_674 = arith.constant 0.000000e+00 : f32
    %max3A_675 = vector.broadcast %max3A_674 : f32 to vector<16xf32>
    %max3A_676 = arith.maximumf %get3A_673, %max3A_675 : vector<16xf32>
    %mul3A_677 = arith.mulf %max3A_676, %bitcast_convert_type3A_628 : vector<16xf32>
    %get3A_678 = arith.constant 96 : index
    %get3A_679 = tpu.vector_load %arg12[%get3A_678] {strides = array<i32>} : memref<112xf32, #tpu.memory_space<vmem>>, vector<16xf32>,
    %get3A_680 = vector.shape_cast %get3A_679 : vector<16xf32> to vector<16xf32>
    %max3A_681 = arith.constant 0.000000e+00 : f32
    %max3A_682 = vector.broadcast %max3A_681 : f32 to vector<16xf32>
    %max3A_683 = arith.maximumf %get3A_680, %max3A_682 : vector<16xf32>
    %mul3A_684 = arith.mulf %max3A_683, %bitcast_convert_type3A_628 : vector<16xf32>
    %add3A_685 = arith.constant 9.99999993E-9 : f32
    %add3A_686 = vector.broadcast %add3A_685 : f32 to vector<16xf32>
    %add3A_687 = arith.addf %mul3A_684, %add3A_686 : vector<16xf32>
    %div3A_688 = arith.divf %mul3A_677, %add3A_687 : vector<16xf32>
    %lt3A_689 = arith.constant 1.200000e+00 : f32
    %lt3A_690 = vector.broadcast %lt3A_689 : f32 to vector<16xf32>
    %lt3A_691 = arith.cmpf olt, %div3A_688, %lt3A_690 : vector<16xf32>
    %jit3A_692 = arith.constant 1.000000e+00 : f32
    %jit3A_693 = arith.constant 2.000000e+00 : f32
    %broadcast_in_dim3A_694 = vector.broadcast %jit3A_692 : f32 to vector<16xf32>
    %broadcast_in_dim3A_695 = vector.broadcast %jit3A_693 : f32 to vector<16xf32>
    %select_n3A_696 = arith.select %lt3A_691, %broadcast_in_dim3A_694, %broadcast_in_dim3A_695 : vector<16xi1>, vector<16xf32>
    %add3A_697 = arith.addf %select_n3A_659, %select_n3A_670 : vector<16xf32>
    %mul3A_698 = arith.mulf %add3A_697, %select_n3A_696 : vector<16xf32>
    %add3A_699 = arith.addf %add3A_623, %mul3A_698 : vector<16xf32>
    %add3A_700 = arith.addf %add3A_624, %bitcast_convert_type3A_628 : vector<16xf32>
    %swap3A_701 = arith.constant 0 : i32
    %swap3A_702 = arith.index_cast %swap3A_701 : i32 to index
    %swap3A_703 = arith.constant 0 : index
    %swap3A_704 = tpu.vector_load %arg13[%swap3A_702, %swap3A_703] {strides = array<i32>} : memref<2x16xf32, #tpu.memory_space<vmem>>, vector<1x16xf32>,
    %swap3A_705 = vector.shape_cast %swap3A_704 : vector<1x16xf32> to vector<16xf32>
    %swap3A_706 = vector.shape_cast %add3A_699 : vector<16xf32> to vector<1x16xf32>
    tpu.vector_store %arg13[%swap3A_702, %swap3A_703], %swap3A_706 {strides = array<i32>} : memref<2x16xf32, #tpu.memory_space<vmem>>, vector<1x16xf32>,
    %swap3A_707 = arith.constant 1 : i32
    %swap3A_708 = arith.index_cast %swap3A_707 : i32 to index
    %swap3A_709 = arith.constant 0 : index
    %swap3A_710 = tpu.vector_load %arg13[%swap3A_708, %swap3A_709] {strides = array<i32>} : memref<2x16xf32, #tpu.memory_space<vmem>>, vector<1x16xf32>,
    %swap3A_711 = vector.shape_cast %swap3A_710 : vector<1x16xf32> to vector<16xf32>
    %swap3A_712 = vector.shape_cast %add3A_700 : vector<16xf32> to vector<1x16xf32>
    tpu.vector_store %arg13[%swap3A_708, %swap3A_709], %swap3A_712 {strides = array<i32>} : memref<2x16xf32, #tpu.memory_space<vmem>>, vector<1x16xf32>,
    "tpu.region"() ({
      %run_scoped3A = tpu.sem_alloc : memref<!tpu.dma_semaphore, #tpu.memory_space<semaphore_mem>>
      %dma_start3A_713 = arith.constant 0 : i32
      %dma_start3A_714 = arith.constant 0 : i32
      %dma_start3A_715 = tpu.memref_slice %arg5[%add3A, %dma_start3A_713, %dma_start3A_714] : memref<32x2x16xf32, #tpu.memory_space<hbm>> -> memref<1x2x16xf32, #tpu.memory_space<hbm>>
      %dma_start3A_716 = tpu.memref_squeeze %dma_start3A_715 : memref<1x2x16xf32, #tpu.memory_space<hbm>> -> memref<2x16xf32, #tpu.memory_space<hbm>>
      %dma_start3A_717 = arith.constant 0 : i32
      %dma_start3A_718 = arith.constant 0 : i32
      %dma_start3A_719 = tpu.memref_slice %arg5[%add3A, %dma_start3A_717, %dma_start3A_718] : memref<32x2x16xf32, #tpu.memory_space<hbm>> -> memref<1x2x16xf32, #tpu.memory_space<hbm>>
      %dma_start3A_720 = tpu.memref_squeeze %dma_start3A_719 : memref<1x2x16xf32, #tpu.memory_space<hbm>> -> memref<2x16xf32, #tpu.memory_space<hbm>>
      tpu.enqueue_dma source(%arg13 : memref<2x16xf32, #tpu.memory_space<vmem>>) target(%dma_start3A_720 : memref<2x16xf32, #tpu.memory_space<hbm>>) target_semaphore(%run_scoped3A : memref<!tpu.dma_semaphore, #tpu.memory_space<semaphore_mem>>)
      %dma_wait3A_721 = arith.constant 0 : i32
      %dma_wait3A_722 = arith.constant 0 : i32
      %dma_wait3A_723 = tpu.memref_slice %arg5[%add3A, %dma_wait3A_721, %dma_wait3A_722] : memref<32x2x16xf32, #tpu.memory_space<hbm>> -> memref<1x2x16xf32, #tpu.memory_space<hbm>>
      %dma_wait3A_724 = tpu.memref_squeeze %dma_wait3A_723 : memref<1x2x16xf32, #tpu.memory_space<hbm>> -> memref<2x16xf32, #tpu.memory_space<hbm>>
      %dma_wait3A_725 = arith.constant 0 : i32
      %dma_wait3A_726 = arith.constant 0 : i32
      %dma_wait3A_727 = tpu.memref_slice %arg5[%add3A, %dma_wait3A_725, %dma_wait3A_726] : memref<32x2x16xf32, #tpu.memory_space<hbm>> -> memref<1x2x16xf32, #tpu.memory_space<hbm>>
      %dma_wait3A_728 = tpu.memref_squeeze %dma_wait3A_727 : memref<1x2x16xf32, #tpu.memory_space<hbm>> -> memref<2x16xf32, #tpu.memory_space<hbm>>
      tpu.wait_dma2 semaphore(%run_scoped3A : memref<!tpu.dma_semaphore, #tpu.memory_space<semaphore_mem>>) src(%arg13 : memref<2x16xf32, #tpu.memory_space<vmem>>) dst(%dma_wait3A_728 : memref<2x16xf32, #tpu.memory_space<hbm>>)
      tpu.yield
    }) : () -> ()
    return
  }
}

</mosaic_0001>

<sc_bundles>
// kernel: kernel.3.cloned.1.call-start
scs
__scs_entry_jumppad:
0x0: {  	(pc) =	sbr.rel $0x88, $3  }
0x1: {  	(tag) =	ssettag $0x0;
	lr =	simm.s32 $0x1  }
0x2: {  	[smem:$0x3F9C] =	sst lr;
	_ =	strace $0xD0000000  }
0x3: {  	_ = 	snop  }
0x4: {  	_ = 	snop  }
0x5: {  	_ = 	snop  }
0x6: {  	_ = 	snop  }
0x7: {  	_ = 	snop  }
__scs_overlays_trampoline_lowered:
0x8: {  	[smem:$0x3FAB] =	sst s0  }
0x9: {  	[smem:$0x3FAC] =	sst s1  }
0xa: {  	[smem:$0x3FAD] =	sst s2  }
0xb: {  	[smem:$0x3FAE] =	sst s3  }
0xc: {  	[smem:$0x3FAF] =	sst s4  }
0xd: {  	[smem:$0x3FB0] =	sst s5  }
0xe: {  	[smem:$0x3FB1] =	sst s6  }
0xf: {  	[smem:$0x3FB2] =	sst s7  }
0x10: {  	[smem:$0x3FB3] =	sst s8  }
0x11: {  	[smem:$0x3FB4] =	sst s9;
	s0 =	simm.s32 @!p0 $0x0  }
0x12: {  	s1 =	sld [smem:$0x3F9A];
	s0 =	simm.s32 @p0 $0x1  }
0x13: {  	[smem:$0x3FB5] =	sst s0;
	s0 =	simm.s32 @!p1 $0x0  }
0x14: {  	s2 =	sld [smem:$0x3F99];
	s0 =	simm.s32 @p1 $0x1  }
0x15: {  	[smem:$0x3FB6] =	sst s0;
	s0 =	simm.s32 @!p2 $0x0  }
0x16: {  	s3 =	sld [smem:$0x3FDB];
	s0 =	simm.s32 @p2 $0x1  }
0x17: {  	s4 =	simm.s32 $0x1BF5;
	[smem:$0x3FB8] =	sst s0  }
0x18: {  	s0 =	sld [smem:$0x3F9B];
	_ =	swait.ge [sflag:s4], $0x0  }
0x19: {  	s7 =	sld [smem:$0x3F9C]  }
0x1a: {  	s8 =	sadd.s32 $0xFFFFE003, lr  }
0x1b: {  	s9 =	sadd.s32 $0xFFFFFEF7, lr;
	s5 =	simm.s32 $0xFFFFFFFF;
	p2 =	slt.u32 s8, $0xFFFFF086  }
0x1c: {  	p1 =	slt.u32 s9, $0xF7A;
	s5 =	simm.s32 @!p2 $0x0  }
0x1d: {  	s5 =	simm.s32 @p1 $0x1;
	p0 =	seq.s32 s7, s2  }
0x1e: {  	s7 =	smul.u32 @!p0 $0xF7A, s2;
	p2 =	seq.s32 @!p0 s5, $0x0  }
0x1f: {  	s9 =	smul.u32 $0xF7A, s1;
	s8 =	simm.s32 @!p0 $0x1BF5;
	p2 =	por !p2, p0  }
0x20: {  	[sflag:s8] =	ssyncset.s32 @!p0 $0xFFFFF086;
	s6 =	sadd.s32 @!p0 s3, s7;
	s7 =	simm.s32 @!p0 $0x108  }
0x21: {  	s3 =	sadd.s32 s3, s9;
	s6 =	sadd.s32 @!p0 $0x88, s6;
	s7 =	simm.s32 @p2 $0x1082  }
0x22: {  	[simem:s7], [sflag:s8] =	dma.local @!p0 [hbm:s6], $0xF7A  }
0x23: {  	s9 =	sor.u32 $0xD0000000, s2;
	s6 =	simm.s32 $0x108;
	_ =	swait.ge @!p0 [sflag:s8], $0x0  }
0x24: {  	s3 =	sadd.s32 $0x88, s3;
	s6 =	simm.s32 @!p1 $0x1082;
	[sflag:s4] =	ssyncset.s32 $0xFFFFF086  }
0x25: {  	[simem:s6], [sflag:s4] =	dma.local [hbm:s3], $0xF7A  }
0x26: {  	[smem:$0x3F9C] =	sst s1;
	(tag) =	ssettag s2;
	_ =	strace s9  }
0x27: {  	s1 =	sld [smem:$0x3FAC]  }
0x28: {  	s2 =	sld [smem:$0x3FAD]  }
0x29: {  	s4 =	sld [smem:$0x3FAF]  }
0x2a: {  	p0 =	seq.s32 s5, $0x0;
	s5 =	sld [smem:$0x3FB0]  }
0x2b: {  	s6 =	sld [smem:$0x3FB1]  }
0x2c: {  	s7 =	sld [smem:$0x3FB2]  }
0x2d: {  	s3 =	simm.s32 $0x108;
	s8 =	sld [smem:$0x3FB3]  }
0x2e: {  	s3 =	simm.s32 @!p0 $0x1082;
	s9 =	sld [smem:$0x3FB4]  }
0x2f: {  	lr =	sadd.s32 s0, s3;
	s0 =	sld [smem:$0x3FAB]  }
0x30: {  	s3 =	sld [smem:$0x3FAE]  }
0x31: {  	[smem:$0x3FB7] =	sst s10  }
0x32: {  	s10 =	sld [smem:$0x3FB5];
	_ =	sdelay $0x3  }
0x33: {  	p0 =	seq.s32 s10, $0x1;
	s10 =	sld [smem:$0x3FB7];
	_ =	sdelay $0x3  }
0x34: {  	[smem:$0x3FB7] =	sst s10  }
0x35: {  	s10 =	sld [smem:$0x3FB6];
	_ =	sdelay $0x3  }
0x36: {  	p1 =	seq.s32 s10, $0x1;
	s10 =	sld [smem:$0x3FB7];
	_ =	sdelay $0x3  }
0x37: {  	[smem:$0x3FB7] =	sst s10  }
0x38: {  	s10 =	sld [smem:$0x3FB8]  }
0x39: {  	_ = 	snop;
	(pc) =	sbr.ind lr, $3  }
0x3a: {  	_ = 	snop  }
0x3b: {  	_ = 	snop  }
0x3c: {  	p2 =	seq.s32 s10, $0x1;
	s10 =	sld [smem:$0x3FB7]  }
0x3d: {  	_ =	shalt  }
0x3e: {  	_ =	shalt  }
0x3f: {  	_ =	shalt  }
0x40: {  	_ =	shalt  }
0x41: {  	_ =	shalt  }
0x42: {  	_ =	shalt  }
0x43: {  	_ =	shalt  }
0x44: {  	_ =	shalt  }
0x45: {  	_ =	shalt  }
0x46: {  	_ =	shalt  }
0x47: {  	_ =	shalt  }
0x48: {  	_ =	shalt  }
0x49: {  	_ =	shalt  }
0x4a: {  	_ =	shalt  }
0x4b: {  	_ =	shalt  }
0x4c: {  	_ =	shalt  }
0x4d: {  	_ =	shalt  }
0x4e: {  	_ =	shalt  }
0x4f: {  	_ =	shalt  }
0x50: {  	_ =	shalt  }
0x51: {  	_ =	shalt  }
0x52: {  	_ =	shalt  }
0x53: {  	_ =	shalt  }
0x54: {  	_ =	shalt  }
0x55: {  	_ =	shalt  }
0x56: {  	_ =	shalt  }
0x57: {  	_ =	shalt  }
0x58: {  	_ =	shalt  }
0x59: {  	_ =	shalt  }
0x5a: {  	_ =	shalt  }
0x5b: {  	_ =	shalt  }
0x5c: {  	_ =	shalt  }
0x5d: {  	_ =	shalt  }
0x5e: {  	_ =	shalt  }
0x5f: {  	_ =	shalt  }
0x60: {  	_ =	shalt  }
0x61: {  	_ =	shalt  }
0x62: {  	_ =	shalt  }
0x63: {  	_ =	shalt  }
0x64: {  	_ =	shalt  }
0x65: {  	_ =	shalt  }
0x66: {  	_ =	shalt  }
0x67: {  	_ =	shalt  }
0x68: {  	_ =	shalt  }
0x69: {  	_ =	shalt  }
0x6a: {  	_ =	shalt  }
0x6b: {  	_ =	shalt  }
0x6c: {  	_ =	shalt  }
0x6d: {  	_ =	shalt  }
0x6e: {  	_ =	shalt  }
0x6f: {  	_ =	shalt  }
0x70: {  	_ =	shalt  }
0x71: {  	_ =	shalt  }
0x72: {  	_ =	shalt  }
0x73: {  	_ =	shalt  }
0x74: {  	_ =	shalt  }
0x75: {  	_ =	shalt  }
0x76: {  	_ =	shalt  }
0x77: {  	_ =	shalt  }
0x78: {  	_ =	shalt  }
0x79: {  	_ =	shalt  }
0x7a: {  	_ =	shalt  }
0x7b: {  	_ =	shalt  }
0x7c: {  	_ =	shalt  }
0x7d: {  	_ =	shalt  }
0x7e: {  	_ =	shalt  }
0x7f: {  	_ =	shalt  }
0x80: {  	_ =	shalt  }
0x81: {  	_ =	shalt  }
0x82: {  	_ =	shalt  }
0x83: {  	_ =	shalt  }
0x84: {  	_ =	shalt  }
0x85: {  	_ =	shalt  }
0x86: {  	_ =	shalt  }
0x87: {  	_ =	shalt  }
.Lfunc_end0:
.L_simem_size_0:
called_computation_lowered:
.L_overlay_start_0:
0x88: {  	s2 =	sld [smem:$0x3FD9]  }
0x89: {  	s3 =	sld [smem:$0x3FFE];
	_ =	sdelay $0x1  }
0x8a: {  	s1 =	srdreg.scid  }
0x8b: {  	s0 =	sand.u32 $0x1, s1  }
0x8c: {  	s17 =	sshll.u32 s0, $0xA;
	s2 =	sadd.s32 s3, s2  }
0x8d: {  	s2 =	sadd.s32 s2, s17  }
0x8e: {  	[smem:$0x3FC3] =	sst s2  }
0x8f: {  	_ = 	snop  }
0x90: {  	s2 =	sld [smem:$0x3FC9]  }
0x91: {  	s18 =	sld [smem:$0x3FC5];
	(tm) =	ssettm $0x1  }
0x92: {  	s4 =	sld [smem:$0x3FFB];
	_ =	sdelay $0x3  }
0x93: {  	_ =	strace s4  }
0x94: {  	s4 =	sld [smem:$0x3FFC];
	_ =	sdelay $0x3  }
0x95: {  	_ =	strace s4  }
0x96: {  	s4 =	sld [smem:$0x3FFD];
	_ =	sdelay $0x3  }
0x97: {  	_ =	strace s4  }
0x98: {  	_ =	strace $0x8FFFFFFF  }
0x99: {  	s19 =	sld [smem:$0x3FDB];
	_ =	sdelay $0x1  }
0x9a: {  	s5 =	simm.s32 $_scs_section_size  }
0x9b: {  	s6 =	simm.s32 $_size__tile_overlayer_lowered;
	s7 =	simm.s32 $_tile_overlayer_lowered  }
0x9c: {  	s22 =	simm.s32 $0x1BFF;
	s21 =	sshll.u32 s7, $0x1;
	s4 =	sadd.s32 s5, s19  }
0x9d: {  	s8 =	simm.s32 $0x0;
	s20 =	sshll.u32 s6, $0x1;
	s6 =	sadd.s32 s21, s4  }
0x9e: {  	[timem:s8], [sflag:s22] =	dma.local [hbm:s6], s20  }
0x9f: {  	_ =	swait.ge [sflag:s22], s20  }
0xa0: {  	s5 =	ssub.s32 $0x0, s20;
	[sflag:s22] =	ssyncset.done $0x0  }
0xa1: {  	[sflag:s22] =	ssyncadd.s32 s5;
	_ =	sdelay $0x1  }
0xa2: {  	s23 =	simm.s32 $0x1B8B  }
0xa3: {  	_ =	swait.ge [sflag:s23], $0x1  }
0xa4: {  	[sflag:s23] =	ssyncset.done $0x0  }
0xa5: {  	s25 =	simm.s32 $0x1B8E;
	s24 =	sld [smem:$0x3FFE];
	[sflag:s23] =	ssyncadd.s32 $0xFFFFFFFF  }
0xa6: {  	s26 =	simm.s32 $execute0_lowered;
	[smem:$0x3FD2] =	sst s25  }
0xa7: {  	s6 =	sshll.u32 s26, $0x1;
	_ =	strace $0x80000046;
	[dreg:$0x1] =	wrdreg $0xFFFFFFFF  }
0xa8: {  	s28 =	simm.s32 $_size_execute0_lowered;
	s4 =	sadd.s32 s4, s6;
	[dreg:$0x0] =	wrdreg $0x0  }
0xa9: {  	s6 =	sshll.u32 s28, $0x1;
	[dreg:$0x2] =	wrdreg s4  }
0xaa: {  	[dreg:$0x3] =	wrdreg s6  }
0xab: {  	[dreg:$0x4] =	wrdreg $0xC0  }
0xac: {  	_ =	task [dreg:s8], $0x5FFFF  }
0xad: {  	[dreg:$0x1] =	wrdreg $0xFFFFFFFF  }
0xae: {  	[dreg:$0x0] =	wrdreg $0x60  }
0xaf: {  	[dreg:$0x2] =	wrdreg s2  }
0xb0: {  	[dreg:$0x3] =	wrdreg s18  }
0xb1: {  	[dreg:$0x4] =	wrdreg s24  }
0xb2: {  	[dreg:$0x5] =	wrdreg $0x9  }
0xb3: {  	_ =	task.clear_ibuf [dreg:s8], $0x6FFFF;
	_ =	strace $0x90000046  }
0xb4: {  	s29 =	simm.s32 $0x9;
	_ =	strace $0x80000048  }
0xb5: {  	_ =	swait.ge [sflag:s29], $0x1  }
0xb6: {  	[sflag:s29] =	ssyncadd.s32 $0xFFFFFFFF  }
0xb7: {  	_ =	strace $0x90000048  }
0xb8: {  	_ =	sfence  }
0xb9: {  	s30 =	sld [smem:$0x0];
	_ =	sdelay $0x2  }
0xba: {  	s31 =	sshll.u32 s1, $0xD;
	s1 =	sshrl.u32 s1, $0x2  }
0xbb: {  	s3 =	sand.u32 $0x4000, s31;
	s1 =	sadd.s32 s1, s30  }
0xbc: {  	s0 =	sor.u32 s3, s0;
	s1 =	sshll.u32 s1, $0x11  }
0xbd: {  	s0 =	sor.u32 s1, s0  }
0xbe: {  	s0 =	sadd.s32 $0x8F2B, s0  }
0xbf: {  	[sflag:s0] =	ssyncadd.remote.s32 $0x1  }
0xc0: {  	_ =	sfence.sel $0xFFFF  }
0xc1: {  	[dreg:$0x0] =	wrdreg $0xFFFFFFFF;
	(pc) =	sbr.abs _section_cstart, $3  }
0xc2: {  	[dreg:$0x1] =	wrdreg $0xFFFFFFFF  }
0xc3: {  	_ =	task.clear_ibuf [dreg:s8], $0x2FFFF;
	_ =	strace $0x9FFFFFFF  }
0xc4: {  	(tm) =	ssettm $0x7FFFFFFF  }
0xc5: {  	_ =	shalt  }
tec
execute0_lowered:
.L_overlay_start_1:
0x0: {  	(tag) =	ssettag $0x1  }
0x1: {  	s1 =	rddreg [dreg:$0x0]  }
0x2: {  	s3 =	rddreg [dreg:$0x1]  }
0x3: {  	s2 =	srdreg.scid;
	s0 =	stileid.u32  }
0x4: {  	s5 =	rddreg [dreg:$0x2];
	s4 =	simm.s32 $0x0;
	s11 =	simm.s32 $0x1  }
0x5: {  	s12 =	simm.s32 $0x70;
	s13 =	simm.s32 $0x200;
	s14 =	simm.s32 $0x300  }
0x6: {  	s15 =	simm.s32 $0x280;
	s16 =	simm.s32 $0x380;
	s17 =	simm.s32 $0x480  }
0x7: {  	s18 =	simm.s32 $0x2;
	s6 =	sand.u32 $0x1, s2;
	s2 =	rddreg [dreg:$0x3]  }
0x8: {  	s21 =	simm.s32 $0x4;
	s7 =	sshll.u32 s0, $0x1;
	[smem:$0x7FF] =	sst s4  }
0x9: {  	s8 =	sshll.u32 s0, $0x7;
	s7 =	sor.u32 s6, s7;
	_ =	strace $0x80000047  }
0xa: {  	s6 =	ssub.s32 $0x2, s6;
	s9 =	sshll.u32 s7, $0x4;
	s10 =	sshll.u32 s7, $0x5  }
0xb: {  	s30 =	sshrl.u32 s6, $0x1;
	s19 =	sshll.u32 s7, $0xF;
	s8 =	sor.u32 s8, s9  }
0xc: {  	s29 =	sadd.s32 s10, s5;
	s31 =	ssub.s32 s6, s30;
	s20 =	sor.u32 $0x4000, s19  }
0xd: {  	s9 =	simm.s32 $0x400;
	s10 =	simm.s32 $0x80;
	s8 =	sand.u32 $0x670, s8  }
0xe: {  	v0 =	vmov s19;
	s19 =	simm.s32 $0x3;
	s7 =	sadd.s32 $0x800, s29;
	s5 =	sadd.s32 s5, s8  }
0xf: {  	v2 =	vimm.f32 $2.000000000e+00;
	v1 =	vmov s20;
	s20 =	simm.s32 $0x500;
	s8 =	smax.u32 s31, $0x1;
	s6 =	sadd.s32 $0x80, s5  }
.LBB2_1:
0x10: {  	[tilespmem:s4], [sflag:$0x1] =	stream.linear.gather [hbm4b:s5+s4], $0x80, $0x38;
	[tilespmem:$0x600] =	vst v63  }
0x11: {  	_ = 	snop  }
0x12: {  	[tilespmem:s10], [sflag:$0x2] =	stream.strided.gather [hbm4b:s6+s10], $0x180, s9, s10, $0x38;
	[tilespmem:$0x600] =	vst v63  }
0x13: {  	_ =	swait.ge [sflag:s11], $0x80  }
0x14: {  	[sflag:s11] =	ssyncset.done $0x0  }
0x15: {  	[sflag:s11] =	ssyncadd.s32 $0xFFFFFF80  }
0x16: {  	v3 =	vld [tilespmem:$0x0];
	_ =	sdelay $0x1  }
0x17: {  	v4 =	vld [tilespmem:$0x10];
	_ =	sdelay $0x1  }
0x18: {  	v5 =	vld [tilespmem:$0x20]  }
0x19: {  	v6 =	vadd.s32 v0, v3  }
0x1a: {  	v31 =	vld [tilespmem:$0x30];
	v3 =	vadd.s32 v1, v3;
	[tilespmem:$0x200] =	vst v6  }
0x1b: {  	[tilespmem:$0x280] =	vst v3;
	v3 =	vadd.s32 v0, v4  }
0x1c: {  	v32 =	vld [tilespmem:$0x40];
	[tilespmem:$0x210] =	vst v3;
	v3 =	vadd.s32 v1, v4  }
0x1d: {  	[tilespmem:$0x290] =	vst v3;
	v3 =	vadd.s32 v0, v5  }
0x1e: {  	v33 =	vld [tilespmem:$0x50];
	[tilespmem:$0x220] =	vst v3;
	v3 =	vadd.s32 v1, v5  }
0x1f: {  	[tilespmem:$0x2A0] =	vst v3;
	v3 =	vadd.s32 v0, v31  }
0x20: {  	v34 =	vld [tilespmem:$0x60];
	[tilespmem:$0x230] =	vst v3;
	v3 =	vadd.s32 v1, v31  }
0x21: {  	[tilespmem:$0x2B0] =	vst v3;
	v3 =	vadd.s32 v0, v32  }
0x22: {  	[tilespmem:$0x240] =	vst v3;
	v3 =	vadd.s32 v1, v32  }
0x23: {  	[tilespmem:$0x2C0] =	vst v3;
	v3 =	vadd.s32 v0, v33  }
0x24: {  	[tilespmem:$0x250] =	vst v3;
	v3 =	vadd.s32 v1, v33  }
0x25: {  	[tilespmem:$0x2D0] =	vst v3;
	v3 =	vadd.s32 v0, v34  }
0x26: {  	[tilespmem:$0x260] =	vst v3;
	v3 =	vadd.s32 v1, v34  }
0x27: {  	[tilespmem:$0x2E0] =	vst v3  }
0x28: {  	[tilespmem:s14], [sflag:$0x3] =	stream.indirect.gather [hbm4b:s1+s12], $0x1, s13, s12, $0xb8;
	[tilespmem:$0x600] =	vst v63  }
0x29: {  	_ = 	snop  }
0x2a: {  	[tilespmem:s16], [sflag:$0x3] =	stream.indirect.gather [hbm4b:s1+s12], $0x1, s15, s12, $0xb8;
	[tilespmem:$0x600] =	vst v63  }
0x2b: {  	_ = 	snop  }
0x2c: {  	[tilespmem:s9], [sflag:$0x3] =	stream.indirect.gather [hbm4b:s3+s12], $0x1, s13, s12, $0xb8;
	[tilespmem:$0x600] =	vst v63  }
0x2d: {  	_ = 	snop  }
0x2e: {  	[tilespmem:s17], [sflag:$0x3] =	stream.indirect.gather [hbm4b:s3+s12], $0x1, s15, s12, $0xb8;
	[tilespmem:$0x600] =	vst v63  }
0x2f: {  	_ =	swait.ge [sflag:s18], $0x180  }
0x30: {  	[sflag:s18] =	ssyncset.done $0x0  }
0x31: {  	[sflag:s18] =	ssyncadd.s32 $0xFFFFFE80  }
0x32: {  	_ =	swait.ge [sflag:s19], $0x70  }
0x33: {  	[sflag:s19] =	ssyncset.done $0x0  }
0x34: {  	[sflag:s19] =	ssyncadd.s32 $0xFFFFFF90  }
0x35: {  	_ =	swait.ge [sflag:s19], $0x70  }
0x36: {  	[sflag:s19] =	ssyncset.done $0x0  }
0x37: {  	[sflag:s19] =	ssyncadd.s32 $0xFFFFFF90  }
0x38: {  	_ =	swait.ge [sflag:s19], $0x70  }
0x39: {  	[sflag:s19] =	ssyncset.done $0x0  }
0x3a: {  	[sflag:s19] =	ssyncadd.s32 $0xFFFFFF90  }
0x3b: {  	_ =	swait.ge [sflag:s19], $0x70  }
0x3c: {  	[sflag:s19] =	ssyncset.done $0x0  }
0x3d: {  	[sflag:s19] =	ssyncadd.s32 $0xFFFFFF90  }
0x3e: {  	v3 =	vld [tilespmem:$0x480]  }
0x3f: {  	v35 =	vld [tilespmem:$0x80]  }
0x40: {  	v36 =	vld [tilespmem:$0x100]  }
0x41: {  	v37 =	vld [tilespmem:$0x180]  }
0x42: {  	v7 =	vld [tilespmem:$0x300]  }
0x43: {  	v8 =	vld [tilespmem:$0x380]  }
0x44: {  	v9 =	vld [tilespmem:$0x400]  }
0x45: {  	v10 =	vld [tilespmem:$0x110]  }
0x46: {  	v13 =	vld [tilespmem:$0x190]  }
0x47: {  	v15 =	vld [tilespmem:$0x310]  }
0x48: {  	v16 =	vld [tilespmem:$0x390]  }
0x49: {  	v49 =	vld [tilespmem:$0x120]  }
0x4a: {  	v51 =	vld [tilespmem:$0x1A0]  }
0x4b: {  	v54 =	vld [tilespmem:$0x320]  }
0x4c: {  	v18 =	vld [tilespmem:$0x3A0];
	v3 =	vmax.f32 v3, $0.0e+00  }
0x4d: {  	v38 =	vld [tilespmem:$0x490];
	v3 =	vmul.f32 v3, v35  }
0x4e: {  	v4 =	vld [tilespmem:$0x90];
	v6 =	vsub.f32 v8, v37  }
0x4f: {  	v58 =	vld [tilespmem:$0x4B0];
	v44 =	vsub.f32 v15, v10;
	v3 =	vadd.f32 $9.999999930e-09, v3  }
0x50: {  	v9 =	vmax.f32 v9, $0.0e+00;
	v45 =	vsub.f32 v16, v13;
	v59 =	vsub.f32 v54, v49  }
0x51: {  	v60 =	vsub.f32 v18, v51;
	v9 =	vmul.f32 v9, v35;
	(erf) = vrcp.f32 v3  }
0x52: {  	v6 =	vmul.f32 v6, v35;
	v3 =	vsub.f32 v7, v36;
	v7 =	vmax.f32 v38, $0.0e+00  }
0x53: {  	v62 =	vadd.f32 $0.0e+00, v35;
	v47 =	vmul.f32 v44, v4;
	v7 =	vmul.f32 v7, v4  }
0x54: {  	v28 =	vmax.f32 v58, $0.0e+00;
	v48 =	vmul.f32 v45, v4;
	v3 =	vmul.f32 v3, v35  }
0x55: {  	v46 =	vld [tilespmem:$0x410];
	v11 =	vand.u32 $0x7FFFFFFF, v6;
	v14 =	vmul.f32 $5.000000000e-01, v6;
	v7 =	vadd.f32 $9.999999930e-09, v7  }
0x56: {  	v31 =	vld [tilespmem:$0x1B0];
	v52 =	vand.u32 $0x7FFFFFFF, v47;
	v53 =	vand.u32 $0x7FFFFFFF, v48;
	v12 =	vmul.f32 $5.000000000e-01, v3  }
0x57: {  	v21 =	vld [tilespmem:$0x3B0];
	v41 =	vadd.f32 $-5.000000000e-01, v11;
	v39 =	vand.u32 $0x7FFFFFFF, v3;
	(erf) = vrcp.f32 v7  }
0x58: {  	v51 =	vld [tilespmem:$0x440];
	v6 =	vmul.f32 v14, v6;
	v40 =	vadd.f32 $-5.000000000e-01, v39;
	v3 =	vmul.f32 v12, v3  }
0x59: {  	v55 =	vmul.f32 $5.000000000e-01, v47;
	vm1 =	vlt.f32 v11, $1.000000000e+00;
	vm0 =	vlt.f32 v39, $1.000000000e+00  }
0x5a: {  	v56 =	vmul.f32 $5.000000000e-01, v48;
	v35 =	vld [tilespmem:$0x430];
	v6 =	vsel vm1, v6, v41;
	v3 =	vsel vm0, v3, v40;
	v17 =	vpop (erf)  }
0x5b: {  	v11 =	vmax.f32 v46, $0.0e+00;
	v3 =	vadd.f32 v6, v3;
	v6 =	vld [tilespmem:$0xA0];
	v42 =	vmul.f32 v17, v9  }
0x5c: {  	v43 =	vld [tilespmem:$0x4A0];
	vm10 =	vlt.f32 v52, $1.000000000e+00;
	v19 =	vadd.f32 $-5.000000000e-01, v53;
	vm11 =	vlt.f32 v53, $1.000000000e+00  }
0x5d: {  	v61 =	vld [tilespmem:$0x420];
	v38 =	vsub.f32 v21, v31;
	v18 =	vmax.f32 v51, $0.0e+00;
	vm9 =	vlt.f32 v42, $1.200000050e+00  }
0x5e: {  	v25 =	vld [tilespmem:$0x130];
	v11 =	vmul.f32 v11, v4;
	v4 =	vadd.f32 v4, v62;
	v8 =	vsel vm9, $0x3F800000, v2  }
0x5f: {  	v27 =	vld [tilespmem:$0x330];
	v7 =	vadd.f32 $-5.000000000e-01, v52;
	v9 =	vmul.f32 v56, v48;
	v3 =	vmul.f32 v8, v3  }
0x60: {  	v37 =	vld [tilespmem:$0x4C0];
	v10 =	vmax.f32 v35, $0.0e+00;
	v8 =	vmul.f32 v55, v47;
	v57 =	vpop (erf);
	v24 =	vmul.f32 v59, v6  }
0x61: {  	v49 =	vld [tilespmem:$0x3C0];
	v9 =	vsel vm11, v9, v19;
	v26 =	vmul.f32 v60, v6;
	v11 =	vmul.f32 v57, v11  }
0x62: {  	v58 =	vld [tilespmem:$0x4D0];
	v50 =	vadd.f32 $0.0e+00, v3;
	v3 =	vmax.f32 v43, $0.0e+00;
	v7 =	vsel vm10, v8, v7  }
0x63: {  	v17 =	vld [tilespmem:$0xD0];
	v29 =	vand.u32 $0x7FFFFFFF, v24;
	v30 =	vmul.f32 $5.000000000e-01, v24;
	v3 =	vmul.f32 v3, v6  }
0x64: {  	v47 =	vld [tilespmem:$0x1C0];
	vm12 =	vlt.f32 v11, $1.200000050e+00;
	v7 =	vadd.f32 v9, v7;
	v11 =	vmax.f32 v61, $0.0e+00  }
0x65: {  	v16 =	vadd.f32 $-5.000000000e-01, v29;
	v61 =	vld [tilespmem:$0x1D0];
	v63 =	vsel vm12, $0x3F800000, v2;
	v5 =	vmul.f32 v30, v24  }
0x66: {  	vm13 =	vlt.f32 v29, $1.000000000e+00;
	v3 =	vadd.f32 $9.999999930e-09, v3;
	v7 =	vmul.f32 v63, v7;
	v63 =	vld [tilespmem:$0x3D0]  }
0x67: {  	v4 =	vadd.f32 v6, v4;
	v20 =	vmul.f32 $5.000000000e-01, v26;
	v36 =	vsel vm13, v5, v16;
	v5 =	vld [tilespmem:$0xC0]  }
0x68: {  	v32 =	vand.u32 $0x7FFFFFFF, v26;
	v8 =	vsub.f32 v27, v25;
	(erf) = vrcp.f32 v3;
	v3 =	vld [tilespmem:$0xB0]  }
0x69: {  	v33 =	vadd.f32 $-5.000000000e-01, v32;
	v29 =	vmax.f32 v58, $0.0e+00;
	v9 =	vmul.f32 v20, v26  }
0x6a: {  	vm14 =	vlt.f32 v32, $1.000000000e+00;
	v11 =	vmul.f32 v11, v6;
	v14 =	vmul.f32 v29, v17  }
0x6b: {  	v56 =	vsub.f32 v49, v47;
	v9 =	vsel vm14, v9, v33;
	v16 =	vmax.f32 v37, $0.0e+00  }
0x6c: {  	v14 =	vadd.f32 $9.999999930e-09, v14;
	v9 =	vadd.f32 v9, v36;
	v16 =	vmul.f32 v16, v5  }
0x6d: {  	v53 =	vld [tilespmem:$0x150];
	v19 =	vsub.f32 v63, v61;
	v18 =	vmul.f32 v18, v5;
	v15 =	vmul.f32 v28, v3  }
0x6e: {  	v31 =	vld [tilespmem:$0x360];
	v7 =	vadd.f32 v7, v50;
	v8 =	vmul.f32 v8, v3;
	v41 =	vmul.f32 v38, v3  }
0x6f: {  	v39 =	vld [tilespmem:$0x140];
	v10 =	vmul.f32 v10, v3;
	v33 =	vmul.f32 v19, v17;
	v15 =	vadd.f32 $9.999999930e-09, v15  }
0x70: {  	v30 =	vld [tilespmem:$0x160];
	v3 =	vadd.f32 v3, v4;
	v16 =	vadd.f32 $9.999999930e-09, v16;
	v42 =	vmul.f32 $5.000000000e-01, v8  }
0x71: {  	v55 =	vld [tilespmem:$0x350];
	v44 =	vand.u32 $0x7FFFFFFF, v8;
	v45 =	vand.u32 $0x7FFFFFFF, v41;
	v34 =	vpop (erf);
	(erf) = vrcp.f32 v15  }
0x72: {  	v25 =	vld [tilespmem:$0xE0];
	v48 =	vmul.f32 $5.000000000e-01, v41;
	v22 =	vand.u32 $0x7FFFFFFF, v33;
	v3 =	vadd.f32 v5, v3  }
0x73: {  	v47 =	vld [tilespmem:$0x460];
	v46 =	vadd.f32 $-5.000000000e-01, v44;
	vm4 =	vlt.f32 v44, $1.000000000e+00;
	v52 =	vadd.f32 $-5.000000000e-01, v45  }
0x74: {  	v43 =	vld [tilespmem:$0x340];
	vm5 =	vlt.f32 v45, $1.000000000e+00;
	vm10 =	vlt.f32 v22, $1.000000000e+00;
	v8 =	vmul.f32 v42, v8  }
0x75: {  	v44 =	vadd.f32 $-5.000000000e-01, v22;
	v12 =	vmul.f32 v48, v41;
	v15 =	vsub.f32 v31, v30  }
0x76: {  	v41 =	vmul.f32 $5.000000000e-01, v33;
	v11 =	vmul.f32 v34, v11;
	v8 =	vsel vm4, v8, v46  }
0x77: {  	v54 =	vsel vm5, v12, v52;
	v12 =	vsub.f32 v55, v53;
	v15 =	vmul.f32 v15, v25  }
0x78: {  	v42 =	vmul.f32 v41, v33;
	v55 =	vmax.f32 v47, $0.0e+00;
	vm15 =	vlt.f32 v11, $1.200000050e+00  }
0x79: {  	v28 =	vld [tilespmem:$0x4E0];
	v11 =	vsub.f32 v43, v39;
	v8 =	vadd.f32 v54, v8;
	v12 =	vmul.f32 v12, v17  }
0x7a: {  	v40 =	vsel vm15, $0x3F800000, v2;
	v43 =	vmul.f32 $5.000000000e-01, v15;
	v50 =	vpop (erf);
	(erf) = vrcp.f32 v16  }
0x7b: {  	v46 =	vand.u32 $0x7FFFFFFF, v15;
	v9 =	vmul.f32 v40, v9;
	v11 =	vmul.f32 v11, v5  }
0x7c: {  	v48 =	vadd.f32 $-5.000000000e-01, v46;
	vm11 =	vlt.f32 v46, $1.000000000e+00;
	v34 =	vmul.f32 $5.000000000e-01, v12  }
0x7d: {  	v38 =	vand.u32 $0x7FFFFFFF, v12;
	v15 =	vmul.f32 v43, v15;
	v10 =	vmul.f32 v50, v10  }
0x7e: {  	v35 =	vld [tilespmem:$0x1E0];
	v7 =	vadd.f32 v9, v7;
	v57 =	vmul.f32 $5.000000000e-01, v11;
	v16 =	vmax.f32 v28, $0.0e+00  }
0x7f: {  	v39 =	vld [tilespmem:$0x450];
	v37 =	vmul.f32 v16, v25;
	vm6 =	vlt.f32 v10, $1.200000050e+00;
	v10 =	vmul.f32 v56, v5  }
0x80: {  	v36 =	vld [tilespmem:$0x3E0];
	v60 =	vand.u32 $0x7FFFFFFF, v11;
	v40 =	vadd.f32 $-5.000000000e-01, v38;
	(erf) = vrcp.f32 v14  }
0x81: {  	vm9 =	vlt.f32 v38, $1.000000000e+00;
	v14 =	vadd.f32 $9.999999930e-09, v37;
	v27 =	vmul.f32 $5.000000000e-01, v10  }
0x82: {  	v62 =	vadd.f32 $-5.000000000e-01, v60;
	v12 =	vmul.f32 v34, v12;
	v26 =	vand.u32 $0x7FFFFFFF, v10  }
0x83: {  	v9 =	vadd.f32 $-5.000000000e-01, v26;
	v10 =	vmul.f32 v27, v10;
	v32 =	vpop (erf);
	(erf) = vrcp.f32 v14  }
0x84: {  	v45 =	vmax.f32 v39, $0.0e+00;
	v11 =	vmul.f32 v57, v11;
	vm8 =	vlt.f32 v26, $1.000000000e+00  }
0x85: {  	v59 =	vsel vm6, $0x3F800000, v2;
	v9 =	vsel vm8, v10, v9;
	v10 =	vsub.f32 v36, v35  }
0x86: {  	vm7 =	vlt.f32 v60, $1.000000000e+00;
	v49 =	vmul.f32 v45, v17;
	v24 =	vmul.f32 v59, v8  }
0x87: {  	v57 =	vmul.f32 v55, v25;
	v12 =	vsel vm9, v12, v40;
	v10 =	vmul.f32 v10, v25  }
0x88: {  	v11 =	vsel vm7, v11, v62;
	v6 =	vadd.f32 v24, v7;
	v13 =	vmul.f32 v32, v18  }
0x89: {  	v14 =	vsel vm10, v42, v44;
	v50 =	vpop (erf);
	v9 =	vadd.f32 v9, v11;
	v51 =	vmul.f32 $5.000000000e-01, v10  }
0x8a: {  	v52 =	vmul.f32 v50, v49;
	vm12 =	vlt.f32 v13, $1.200000050e+00;
	v53 =	vand.u32 $0x7FFFFFFF, v10  }
0x8b: {  	v56 =	vsel vm12, $0x3F800000, v2;
	v54 =	vadd.f32 $-5.000000000e-01, v53;
	v10 =	vmul.f32 v51, v10  }
0x8c: {  	v60 =	vadd.f32 v14, v12;
	vm13 =	vlt.f32 v53, $1.000000000e+00;
	v9 =	vmul.f32 v56, v9;
	v59 =	vpop (erf)  }
0x8d: {  	vm14 =	vlt.f32 v52, $1.200000050e+00;
	v58 =	vsel vm13, v10, v54;
	v10 =	vmul.f32 v59, v57  }
0x8e: {  	v15 =	vsel vm11, v15, v48;
	v62 =	vsel vm14, $0x3F800000, v2;
	v61 =	vadd.f32 v9, v6  }
0x8f: {  	v6 =	vmul.f32 v62, v60;
	v7 =	vadd.f32 v58, v15;
	vm15 =	vlt.f32 v10, $1.200000050e+00  }
0x90: {  	v3 =	vadd.f32 v17, v3;
	v63 =	vsel vm15, $0x3F800000, v2  }
0x91: {  	v4 =	vadd.f32 v6, v61;
	v5 =	vmul.f32 v63, v7  }
0x92: {  	v3 =	vadd.f32 v25, v3  }
0x93: {  	v4 =	vadd.f32 v5, v4  }
0x94: {  	p0 =	sne.s32 s8, $0x1;
	[tilespmem:$0x580] =	vst v3  }
.Ltmp0:
0x95: {  	[tilespmem:$0x500] =	vst v4;
	(pc) =	sbr.rel @p0 .LBB2_1-.Ltmp0, $4  }
0x96: {  	[hbm4b:s7+s4] =	stream.linear.scatter [tilespmem:s20], [sflag:$0x4], $0x100, $0x38;
	[tilespmem:$0x600] =	vst v63  }
0x97: {  	_ =	swait.ge [sflag:s21], $0x100  }
0x98: {  	[sflag:s21] =	ssyncset.done $0x0  }
0x99: {  	s8 =	sadd.s32 $0xFFFFFFFF, s8;
	[sflag:s21] =	ssyncadd.s32 $0xFFFFFF00  }
0x9a: {  	_ =	sfence.sel $0x180000  }
0x9b: {  	[bflag:$0x0] =	sbarrier.arrive $0xFFFF  }
0x9c: {  	p0 =	sne.s32 s0, $0x0;
	_ =	strace $0x90000047  }
0x9d: {  	s0 =	sadd.s32 @!p0 $0x100000, s2;
	[bflag:$0x2] =	sbarrier.arrive $0xFFFF  }
0x9e: {  	[sflag:s0] =	ssyncadd.tile.s32 @!p0 $0x1;
	_ =	shalt  }
.Lfunc_end2:
_tile_overlayer_lowered:
.L_overlay_start_2:
0x9f: {  	(tag) =	ssettag $0x2  }
0xa0: {  	s0 =	rddreg [dreg:$0x0];
	s2 =	stileid.u32  }
0xa1: {  	s1 =	rddreg [dreg:$0x1];
	p0 =	sne.s32 s2, $0x0  }
0xa2: {  	s3 =	rddreg [dreg:$0x2];
	[bflag:$0x3] =	sbarrier.arrive $0xFFFF;
	s2 =	simm.s32 @!p0 $0x1C04  }
0xa3: {  	[timem:s3], [sflag:s2] =	dma.local @!p0 [hbm:s0], s1  }
0xa4: {  	s0 =	simm.s32 @!p0 $0x4  }
0xa5: {  	_ =	swait.ge @!p0 [sflag:s0], s1  }
0xa6: {  	s1 =	ssub.s32 @!p0 $0x0, s1;
	[sflag:s0] =	ssyncset.done @!p0 $0x0  }
0xa7: {  	[sflag:s0] =	ssyncadd.s32 @!p0 s1  }
0xa8: {  	[bflag:$0x3] =	sbarrier.arrive $0xFFFF  }
0xa9: {  	_ =	shalt  }

</sc_bundles>
